<compile_context>
chip_gen: v7x
topology: tpu7x:2x2x1
jax: 0.10.2.dev20260603
libtpu: 0.0.44.dev20260713+nightly
codegen_flags: <defaults>
</compile_context>

<pallas_src>
import functools

import jax
import jax.numpy as jnp
from jax import lax
from jax.experimental import pallas as pl
from jax.experimental.pallas import tpu as pltpu
from jax.experimental.pallas import tpu_sc as plsc

NUM_CORES = 2
NUM_SUBCORES = 16
NUM_WORKERS = NUM_CORES * NUM_SUBCORES


def _make_sc_gather(B, V, D, b_per_w, chunk, nbuf):
  nchunks = b_per_w // chunk
  assert b_per_w % chunk == 0 and chunk <= 128 and nchunks >= nbuf
  mesh = plsc.VectorSubcoreMesh(
      core_axis_name="c", subcore_axis_name="s",
      num_cores=NUM_CORES, num_subcores=NUM_SUBCORES)

  @functools.partial(
      pl.kernel,
      out_type=jax.ShapeDtypeStruct((B, D), jnp.float32),
      mesh=mesh,
      scratch_types=[
          pltpu.VMEM((b_per_w,), jnp.int32),
          pltpu.VMEM_SHARED((NUM_SUBCORES * 16, D), jnp.float32),
      ] + [pltpu.VMEM((chunk, D), jnp.float32)] * nbuf
        + [pltpu.SemaphoreType.DMA] * (2 * nbuf),
      compiler_params=pltpu.CompilerParams(
          use_tc_tiling_on_sc=False, needs_layout_passes=False),
  )
  def sc_gather(ids_hbm, table_hbm, out_hbm, idx_v, table_sh, *bufs_and_sems):
    bufs = bufs_and_sems[:nbuf]
    gsems = bufs_and_sems[nbuf:2 * nbuf]
    wsems = bufs_and_sems[2 * nbuf:]
    sid = lax.axis_index("s")
    wid = sid * NUM_CORES + lax.axis_index("c")
    base = pl.multiple_of(wid * b_per_w, b_per_w)
    tcopy = pltpu.make_async_copy(
        table_hbm, table_sh.at[pl.ds(pl.multiple_of(sid * 16, 16), V)],
        gsems[0])
    tcopy.start()
    pltpu.sync_copy(ids_hbm.at[pl.ds(base, b_per_w)], idx_v)
    soff = sid * 16
    for i in range(b_per_w // 16):
      sl = pl.ds(i * 16, 16)
      idx_v[sl] = idx_v[sl] + soff
    tcopy.wait()

    def gather(c):
      b = c % nbuf
      off = pl.multiple_of(c * chunk, chunk)
      return pltpu.make_async_copy(
          table_sh.at[idx_v.at[pl.ds(off, chunk)]], bufs[b], gsems[b])

    def writeout(c):
      b = c % nbuf
      off = pl.multiple_of(c * chunk, chunk)
      return pltpu.make_async_copy(
          bufs[b], out_hbm.at[pl.ds(base + off, chunk)], wsems[b])

    for c in range(nbuf - 1):
      gather(c).start()
    for c in range(nchunks):
      if c + nbuf - 1 < nchunks:
        if c >= 1:
          writeout(c - 1).wait()
        gather(c + nbuf - 1).start()
      gather(c).wait()
      writeout(c).start()
    for c in range(max(nchunks - nbuf + 1, 1), nchunks):
      writeout(c - 1).wait()
    writeout(nchunks - 1).wait()

  return sc_gather


def kernel(word_ids, table):
  B = word_ids.shape[0]
  V, D = table.shape
  b_per_w = B // NUM_WORKERS
  ids = word_ids[:, 0].astype(jnp.int32)
  f = _make_sc_gather(B, V, D, b_per_w, 32, 4)
  return f(ids, table)

# --- scband reference (transcript-rebuilt; emitter-appended) ---
"""Pipeline reference for scband-embedding-wrap2-75247827026227 (READ-ONLY COPY).

The authoritative reference and input builder live on the scoring server;
editing this copy changes nothing except your own understanding.
"""

import jax, jax.numpy as jnp
import numpy as np

VOCAB = 10
EMB = 728
B = 16384
L = 200

def setup_inputs(seed: int = 0) -> dict:
    key = jax.random.key(seed)
    k1, k2 = jax.random.split(key)
    word_ids = jax.random.randint(k1, (B, L), 0, VOCAB, dtype=jnp.int64) if jax.config.jax_enable_x64 else jax.random.randint(k1, (B, L), 0, VOCAB, dtype=jnp.int32)
    table = jax.random.normal(k2, (VOCAB, EMB), dtype=jnp.float32) * (EMB ** -0.5)
    return {"word_ids": word_ids, "table": table}

def reference(word_ids, table):
    # OnDeviceEmbedding: gather rows of the embedding table
    word_embeddings = jnp.take(table, word_ids, axis=0)  # [B, L, EMB]
    # EmbeddingWrap2.call returns word_embeddings[:, 0]
    return word_embeddings[:, 0]  # [B, EMB]

if __name__ == "__main__":
    import jax
    _d = setup_inputs()
    print(jax.jit(kernel)(*tuple(_d.values())))

</pallas_src>

<mosaic_0001>
#map = affine_map<(d0, d1) -> (0)>
#map1 = affine_map<(d0, d1) -> (0, 0)>
module attributes {stable_mosaic.version = 14 : i64} {
  func.func @sc_gather(%arg0: i32, %arg1: i32, %arg2: memref<16384xi32, #tpu.memory_space<hbm>>, %arg3: memref<10x728xf32, #tpu.memory_space<hbm>>, %arg4: memref<16384x728xf32, #tpu.memory_space<hbm>>, %arg5: memref<512xi32, #tpu.memory_space<vmem>>, %arg6: memref<256x728xf32, #tpu.memory_space<vmem_shared>>, %arg7: memref<32x728xf32, #tpu.memory_space<vmem>>, %arg8: memref<32x728xf32, #tpu.memory_space<vmem>>, %arg9: memref<32x728xf32, #tpu.memory_space<vmem>>, %arg10: memref<32x728xf32, #tpu.memory_space<vmem>>, %arg11: memref<!tpu.dma_semaphore, #tpu.memory_space<semaphore_mem>>, %arg12: memref<!tpu.dma_semaphore, #tpu.memory_space<semaphore_mem>>, %arg13: memref<!tpu.dma_semaphore, #tpu.memory_space<semaphore_mem>>, %arg14: memref<!tpu.dma_semaphore, #tpu.memory_space<semaphore_mem>>, %arg15: memref<!tpu.dma_semaphore, #tpu.memory_space<semaphore_mem>>, %arg16: memref<!tpu.dma_semaphore, #tpu.memory_space<semaphore_mem>>, %arg17: memref<!tpu.dma_semaphore, #tpu.memory_space<semaphore_mem>>, %arg18: memref<!tpu.dma_semaphore, #tpu.memory_space<semaphore_mem>>) attributes {dimension_semantics = [#tpu.dimension_semantics<core_parallel>, #tpu.dimension_semantics<subcore_parallel>], iteration_bounds = array<i64: 2, 16>, scalar_prefetch = 0 : i64, scratch_operands = 14 : i64, tpu.core_type = #tpu.core_type<sc_vector_subcore>, window_params = [{transform_indices = #map}, {transform_indices = #map1}, {transform_indices = #map1}]} {
    %mul3A = arith.constant 2 : i32
    %mul3A_0 = arith.muli %arg1, %mul3A : i32
    %add3A = arith.addi %mul3A_0, %arg0 : i32
    %mul3A_1 = arith.constant 512 : i32
    %mul3A_2 = arith.muli %add3A, %mul3A_1 : i32
    %multiple_of3A = tpu.assume_multiple %mul3A_2, 512 : i32
    %mul3A_3 = arith.constant 16 : i32
    %mul3A_4 = arith.muli %arg1, %mul3A_3 : i32
    %multiple_of3A_5 = tpu.assume_multiple %mul3A_4, 16 : i32
    %dma_start3A = arith.constant 0 : i32
    %dma_start3A_6 = tpu.memref_slice %arg6[%multiple_of3A_5, %dma_start3A] : memref<256x728xf32, #tpu.memory_space<vmem_shared>> -> memref<10x728xf32, #tpu.memory_space<vmem_shared>>
    tpu.enqueue_dma source(%arg3 : memref<10x728xf32, #tpu.memory_space<hbm>>) target(%dma_start3A_6 : memref<10x728xf32, #tpu.memory_space<vmem_shared>>) target_semaphore(%arg11 : memref<!tpu.dma_semaphore, #tpu.memory_space<semaphore_mem>>)
    "tpu.region"() ({
      %run_scoped3A = tpu.sem_alloc : memref<!tpu.dma_semaphore, #tpu.memory_space<semaphore_mem>>
      %dma_start3A_616 = tpu.memref_slice %arg2[%multiple_of3A] : memref<16384xi32, #tpu.memory_space<hbm>> -> memref<512xi32, #tpu.memory_space<hbm>>
      %dma_start3A_617 = tpu.memref_slice %arg2[%multiple_of3A] : memref<16384xi32, #tpu.memory_space<hbm>> -> memref<512xi32, #tpu.memory_space<hbm>>
      tpu.enqueue_dma source(%dma_start3A_617 : memref<512xi32, #tpu.memory_space<hbm>>) target(%arg5 : memref<512xi32, #tpu.memory_space<vmem>>) target_semaphore(%run_scoped3A : memref<!tpu.dma_semaphore, #tpu.memory_space<semaphore_mem>>)
      %dma_wait3A_618 = tpu.memref_slice %arg2[%multiple_of3A] : memref<16384xi32, #tpu.memory_space<hbm>> -> memref<512xi32, #tpu.memory_space<hbm>>
      %dma_wait3A_619 = tpu.memref_slice %arg2[%multiple_of3A] : memref<16384xi32, #tpu.memory_space<hbm>> -> memref<512xi32, #tpu.memory_space<hbm>>
      tpu.wait_dma2 semaphore(%run_scoped3A : memref<!tpu.dma_semaphore, #tpu.memory_space<semaphore_mem>>) src(%dma_wait3A_619 : memref<512xi32, #tpu.memory_space<hbm>>) dst(%arg5 : memref<512xi32, #tpu.memory_space<vmem>>)
      tpu.yield
    }) : () -> ()
    %mul3A_7 = arith.constant 16 : i32
    %mul3A_8 = arith.muli %arg1, %mul3A_7 : i32
    %get3A = arith.constant 0 : index
    %get3A_9 = tpu.vector_load %arg5[%get3A] {strides = array<i32>} : memref<512xi32, #tpu.memory_space<vmem>>, vector<16xi32>,
    %add3A_10 = vector.broadcast %mul3A_8 : i32 to vector<16xi32>
    %add3A_11 = arith.addi %get3A_9, %add3A_10 : vector<16xi32>
    %swap3A = arith.constant 0 : index
    %swap3A_12 = tpu.vector_load %arg5[%swap3A] {strides = array<i32>} : memref<512xi32, #tpu.memory_space<vmem>>, vector<16xi32>,
    tpu.vector_store %arg5[%swap3A], %add3A_11 {strides = array<i32>} : memref<512xi32, #tpu.memory_space<vmem>>, vector<16xi32>,
    %get3A_13 = arith.constant 16 : index
    %get3A_14 = tpu.vector_load %arg5[%get3A_13] {strides = array<i32>} : memref<512xi32, #tpu.memory_space<vmem>>, vector<16xi32>,
    %add3A_15 = vector.broadcast %mul3A_8 : i32 to vector<16xi32>
    %add3A_16 = arith.addi %get3A_14, %add3A_15 : vector<16xi32>
    %swap3A_17 = arith.constant 16 : index
    %swap3A_18 = tpu.vector_load %arg5[%swap3A_17] {strides = array<i32>} : memref<512xi32, #tpu.memory_space<vmem>>, vector<16xi32>,
    tpu.vector_store %arg5[%swap3A_17], %add3A_16 {strides = array<i32>} : memref<512xi32, #tpu.memory_space<vmem>>, vector<16xi32>,
    %get3A_19 = arith.constant 32 : index
    %get3A_20 = tpu.vector_load %arg5[%get3A_19] {strides = array<i32>} : memref<512xi32, #tpu.memory_space<vmem>>, vector<16xi32>,
    %add3A_21 = vector.broadcast %mul3A_8 : i32 to vector<16xi32>
    %add3A_22 = arith.addi %get3A_20, %add3A_21 : vector<16xi32>
    %swap3A_23 = arith.constant 32 : index
    %swap3A_24 = tpu.vector_load %arg5[%swap3A_23] {strides = array<i32>} : memref<512xi32, #tpu.memory_space<vmem>>, vector<16xi32>,
    tpu.vector_store %arg5[%swap3A_23], %add3A_22 {strides = array<i32>} : memref<512xi32, #tpu.memory_space<vmem>>, vector<16xi32>,
    %get3A_25 = arith.constant 48 : index
    %get3A_26 = tpu.vector_load %arg5[%get3A_25] {strides = array<i32>} : memref<512xi32, #tpu.memory_space<vmem>>, vector<16xi32>,
    %add3A_27 = vector.broadcast %mul3A_8 : i32 to vector<16xi32>
    %add3A_28 = arith.addi %get3A_26, %add3A_27 : vector<16xi32>
    %swap3A_29 = arith.constant 48 : index
    %swap3A_30 = tpu.vector_load %arg5[%swap3A_29] {strides = array<i32>} : memref<512xi32, #tpu.memory_space<vmem>>, vector<16xi32>,
    tpu.vector_store %arg5[%swap3A_29], %add3A_28 {strides = array<i32>} : memref<512xi32, #tpu.memory_space<vmem>>, vector<16xi32>,
    %get3A_31 = arith.constant 64 : index
    %get3A_32 = tpu.vector_load %arg5[%get3A_31] {strides = array<i32>} : memref<512xi32, #tpu.memory_space<vmem>>, vector<16xi32>,
    %add3A_33 = vector.broadcast %mul3A_8 : i32 to vector<16xi32>
    %add3A_34 = arith.addi %get3A_32, %add3A_33 : vector<16xi32>
    %swap3A_35 = arith.constant 64 : index
    %swap3A_36 = tpu.vector_load %arg5[%swap3A_35] {strides = array<i32>} : memref<512xi32, #tpu.memory_space<vmem>>, vector<16xi32>,
    tpu.vector_store %arg5[%swap3A_35], %add3A_34 {strides = array<i32>} : memref<512xi32, #tpu.memory_space<vmem>>, vector<16xi32>,
    %get3A_37 = arith.constant 80 : index
    %get3A_38 = tpu.vector_load %arg5[%get3A_37] {strides = array<i32>} : memref<512xi32, #tpu.memory_space<vmem>>, vector<16xi32>,
    %add3A_39 = vector.broadcast %mul3A_8 : i32 to vector<16xi32>
    %add3A_40 = arith.addi %get3A_38, %add3A_39 : vector<16xi32>
    %swap3A_41 = arith.constant 80 : index
    %swap3A_42 = tpu.vector_load %arg5[%swap3A_41] {strides = array<i32>} : memref<512xi32, #tpu.memory_space<vmem>>, vector<16xi32>,
    tpu.vector_store %arg5[%swap3A_41], %add3A_40 {strides = array<i32>} : memref<512xi32, #tpu.memory_space<vmem>>, vector<16xi32>,
    %get3A_43 = arith.constant 96 : index
    %get3A_44 = tpu.vector_load %arg5[%get3A_43] {strides = array<i32>} : memref<512xi32, #tpu.memory_space<vmem>>, vector<16xi32>,
    %add3A_45 = vector.broadcast %mul3A_8 : i32 to vector<16xi32>
    %add3A_46 = arith.addi %get3A_44, %add3A_45 : vector<16xi32>
    %swap3A_47 = arith.constant 96 : index
    %swap3A_48 = tpu.vector_load %arg5[%swap3A_47] {strides = array<i32>} : memref<512xi32, #tpu.memory_space<vmem>>, vector<16xi32>,
    tpu.vector_store %arg5[%swap3A_47], %add3A_46 {strides = array<i32>} : memref<512xi32, #tpu.memory_space<vmem>>, vector<16xi32>,
    %get3A_49 = arith.constant 112 : index
    %get3A_50 = tpu.vector_load %arg5[%get3A_49] {strides = array<i32>} : memref<512xi32, #tpu.memory_space<vmem>>, vector<16xi32>,
    %add3A_51 = vector.broadcast %mul3A_8 : i32 to vector<16xi32>
    %add3A_52 = arith.addi %get3A_50, %add3A_51 : vector<16xi32>
    %swap3A_53 = arith.constant 112 : index
    %swap3A_54 = tpu.vector_load %arg5[%swap3A_53] {strides = array<i32>} : memref<512xi32, #tpu.memory_space<vmem>>, vector<16xi32>,
    tpu.vector_store %arg5[%swap3A_53], %add3A_52 {strides = array<i32>} : memref<512xi32, #tpu.memory_space<vmem>>, vector<16xi32>,
    %get3A_55 = arith.constant 128 : index
    %get3A_56 = tpu.vector_load %arg5[%get3A_55] {strides = array<i32>} : memref<512xi32, #tpu.memory_space<vmem>>, vector<16xi32>,
    %add3A_57 = vector.broadcast %mul3A_8 : i32 to vector<16xi32>
    %add3A_58 = arith.addi %get3A_56, %add3A_57 : vector<16xi32>
    %swap3A_59 = arith.constant 128 : index
    %swap3A_60 = tpu.vector_load %arg5[%swap3A_59] {strides = array<i32>} : memref<512xi32, #tpu.memory_space<vmem>>, vector<16xi32>,
    tpu.vector_store %arg5[%swap3A_59], %add3A_58 {strides = array<i32>} : memref<512xi32, #tpu.memory_space<vmem>>, vector<16xi32>,
    %get3A_61 = arith.constant 144 : index
    %get3A_62 = tpu.vector_load %arg5[%get3A_61] {strides = array<i32>} : memref<512xi32, #tpu.memory_space<vmem>>, vector<16xi32>,
    %add3A_63 = vector.broadcast %mul3A_8 : i32 to vector<16xi32>
    %add3A_64 = arith.addi %get3A_62, %add3A_63 : vector<16xi32>
    %swap3A_65 = arith.constant 144 : index
    %swap3A_66 = tpu.vector_load %arg5[%swap3A_65] {strides = array<i32>} : memref<512xi32, #tpu.memory_space<vmem>>, vector<16xi32>,
    tpu.vector_store %arg5[%swap3A_65], %add3A_64 {strides = array<i32>} : memref<512xi32, #tpu.memory_space<vmem>>, vector<16xi32>,
    %get3A_67 = arith.constant 160 : index
    %get3A_68 = tpu.vector_load %arg5[%get3A_67] {strides = array<i32>} : memref<512xi32, #tpu.memory_space<vmem>>, vector<16xi32>,
    %add3A_69 = vector.broadcast %mul3A_8 : i32 to vector<16xi32>
    %add3A_70 = arith.addi %get3A_68, %add3A_69 : vector<16xi32>
    %swap3A_71 = arith.constant 160 : index
    %swap3A_72 = tpu.vector_load %arg5[%swap3A_71] {strides = array<i32>} : memref<512xi32, #tpu.memory_space<vmem>>, vector<16xi32>,
    tpu.vector_store %arg5[%swap3A_71], %add3A_70 {strides = array<i32>} : memref<512xi32, #tpu.memory_space<vmem>>, vector<16xi32>,
    %get3A_73 = arith.constant 176 : index
    %get3A_74 = tpu.vector_load %arg5[%get3A_73] {strides = array<i32>} : memref<512xi32, #tpu.memory_space<vmem>>, vector<16xi32>,
    %add3A_75 = vector.broadcast %mul3A_8 : i32 to vector<16xi32>
    %add3A_76 = arith.addi %get3A_74, %add3A_75 : vector<16xi32>
    %swap3A_77 = arith.constant 176 : index
    %swap3A_78 = tpu.vector_load %arg5[%swap3A_77] {strides = array<i32>} : memref<512xi32, #tpu.memory_space<vmem>>, vector<16xi32>,
    tpu.vector_store %arg5[%swap3A_77], %add3A_76 {strides = array<i32>} : memref<512xi32, #tpu.memory_space<vmem>>, vector<16xi32>,
    %get3A_79 = arith.constant 192 : index
    %get3A_80 = tpu.vector_load %arg5[%get3A_79] {strides = array<i32>} : memref<512xi32, #tpu.memory_space<vmem>>, vector<16xi32>,
    %add3A_81 = vector.broadcast %mul3A_8 : i32 to vector<16xi32>
    %add3A_82 = arith.addi %get3A_80, %add3A_81 : vector<16xi32>
    %swap3A_83 = arith.constant 192 : index
    %swap3A_84 = tpu.vector_load %arg5[%swap3A_83] {strides = array<i32>} : memref<512xi32, #tpu.memory_space<vmem>>, vector<16xi32>,
    tpu.vector_store %arg5[%swap3A_83], %add3A_82 {strides = array<i32>} : memref<512xi32, #tpu.memory_space<vmem>>, vector<16xi32>,
    %get3A_85 = arith.constant 208 : index
    %get3A_86 = tpu.vector_load %arg5[%get3A_85] {strides = array<i32>} : memref<512xi32, #tpu.memory_space<vmem>>, vector<16xi32>,
    %add3A_87 = vector.broadcast %mul3A_8 : i32 to vector<16xi32>
    %add3A_88 = arith.addi %get3A_86, %add3A_87 : vector<16xi32>
    %swap3A_89 = arith.constant 208 : index
    %swap3A_90 = tpu.vector_load %arg5[%swap3A_89] {strides = array<i32>} : memref<512xi32, #tpu.memory_space<vmem>>, vector<16xi32>,
    tpu.vector_store %arg5[%swap3A_89], %add3A_88 {strides = array<i32>} : memref<512xi32, #tpu.memory_space<vmem>>, vector<16xi32>,
    %get3A_91 = arith.constant 224 : index
    %get3A_92 = tpu.vector_load %arg5[%get3A_91] {strides = array<i32>} : memref<512xi32, #tpu.memory_space<vmem>>, vector<16xi32>,
    %add3A_93 = vector.broadcast %mul3A_8 : i32 to vector<16xi32>
    %add3A_94 = arith.addi %get3A_92, %add3A_93 : vector<16xi32>
    %swap3A_95 = arith.constant 224 : index
    %swap3A_96 = tpu.vector_load %arg5[%swap3A_95] {strides = array<i32>} : memref<512xi32, #tpu.memory_space<vmem>>, vector<16xi32>,
    tpu.vector_store %arg5[%swap3A_95], %add3A_94 {strides = array<i32>} : memref<512xi32, #tpu.memory_space<vmem>>, vector<16xi32>,
    %get3A_97 = arith.constant 240 : index
    %get3A_98 = tpu.vector_load %arg5[%get3A_97] {strides = array<i32>} : memref<512xi32, #tpu.memory_space<vmem>>, vector<16xi32>,
    %add3A_99 = vector.broadcast %mul3A_8 : i32 to vector<16xi32>
    %add3A_100 = arith.addi %get3A_98, %add3A_99 : vector<16xi32>
    %swap3A_101 = arith.constant 240 : index
    %swap3A_102 = tpu.vector_load %arg5[%swap3A_101] {strides = array<i32>} : memref<512xi32, #tpu.memory_space<vmem>>, vector<16xi32>,
    tpu.vector_store %arg5[%swap3A_101], %add3A_100 {strides = array<i32>} : memref<512xi32, #tpu.memory_space<vmem>>, vector<16xi32>,
    %get3A_103 = arith.constant 256 : index
    %get3A_104 = tpu.vector_load %arg5[%get3A_103] {strides = array<i32>} : memref<512xi32, #tpu.memory_space<vmem>>, vector<16xi32>,
    %add3A_105 = vector.broadcast %mul3A_8 : i32 to vector<16xi32>
    %add3A_106 = arith.addi %get3A_104, %add3A_105 : vector<16xi32>
    %swap3A_107 = arith.constant 256 : index
    %swap3A_108 = tpu.vector_load %arg5[%swap3A_107] {strides = array<i32>} : memref<512xi32, #tpu.memory_space<vmem>>, vector<16xi32>,
    tpu.vector_store %arg5[%swap3A_107], %add3A_106 {strides = array<i32>} : memref<512xi32, #tpu.memory_space<vmem>>, vector<16xi32>,
    %get3A_109 = arith.constant 272 : index
    %get3A_110 = tpu.vector_load %arg5[%get3A_109] {strides = array<i32>} : memref<512xi32, #tpu.memory_space<vmem>>, vector<16xi32>,
    %add3A_111 = vector.broadcast %mul3A_8 : i32 to vector<16xi32>
    %add3A_112 = arith.addi %get3A_110, %add3A_111 : vector<16xi32>
    %swap3A_113 = arith.constant 272 : index
    %swap3A_114 = tpu.vector_load %arg5[%swap3A_113] {strides = array<i32>} : memref<512xi32, #tpu.memory_space<vmem>>, vector<16xi32>,
    tpu.vector_store %arg5[%swap3A_113], %add3A_112 {strides = array<i32>} : memref<512xi32, #tpu.memory_space<vmem>>, vector<16xi32>,
    %get3A_115 = arith.constant 288 : index
    %get3A_116 = tpu.vector_load %arg5[%get3A_115] {strides = array<i32>} : memref<512xi32, #tpu.memory_space<vmem>>, vector<16xi32>,
    %add3A_117 = vector.broadcast %mul3A_8 : i32 to vector<16xi32>
    %add3A_118 = arith.addi %get3A_116, %add3A_117 : vector<16xi32>
    %swap3A_119 = arith.constant 288 : index
    %swap3A_120 = tpu.vector_load %arg5[%swap3A_119] {strides = array<i32>} : memref<512xi32, #tpu.memory_space<vmem>>, vector<16xi32>,
    tpu.vector_store %arg5[%swap3A_119], %add3A_118 {strides = array<i32>} : memref<512xi32, #tpu.memory_space<vmem>>, vector<16xi32>,
    %get3A_121 = arith.constant 304 : index
    %get3A_122 = tpu.vector_load %arg5[%get3A_121] {strides = array<i32>} : memref<512xi32, #tpu.memory_space<vmem>>, vector<16xi32>,
    %add3A_123 = vector.broadcast %mul3A_8 : i32 to vector<16xi32>
    %add3A_124 = arith.addi %get3A_122, %add3A_123 : vector<16xi32>
    %swap3A_125 = arith.constant 304 : index
    %swap3A_126 = tpu.vector_load %arg5[%swap3A_125] {strides = array<i32>} : memref<512xi32, #tpu.memory_space<vmem>>, vector<16xi32>,
    tpu.vector_store %arg5[%swap3A_125], %add3A_124 {strides = array<i32>} : memref<512xi32, #tpu.memory_space<vmem>>, vector<16xi32>,
    %get3A_127 = arith.constant 320 : index
    %get3A_128 = tpu.vector_load %arg5[%get3A_127] {strides = array<i32>} : memref<512xi32, #tpu.memory_space<vmem>>, vector<16xi32>,
    %add3A_129 = vector.broadcast %mul3A_8 : i32 to vector<16xi32>
    %add3A_130 = arith.addi %get3A_128, %add3A_129 : vector<16xi32>
    %swap3A_131 = arith.constant 320 : index
    %swap3A_132 = tpu.vector_load %arg5[%swap3A_131] {strides = array<i32>} : memref<512xi32, #tpu.memory_space<vmem>>, vector<16xi32>,
    tpu.vector_store %arg5[%swap3A_131], %add3A_130 {strides = array<i32>} : memref<512xi32, #tpu.memory_space<vmem>>, vector<16xi32>,
    %get3A_133 = arith.constant 336 : index
    %get3A_134 = tpu.vector_load %arg5[%get3A_133] {strides = array<i32>} : memref<512xi32, #tpu.memory_space<vmem>>, vector<16xi32>,
    %add3A_135 = vector.broadcast %mul3A_8 : i32 to vector<16xi32>
    %add3A_136 = arith.addi %get3A_134, %add3A_135 : vector<16xi32>
    %swap3A_137 = arith.constant 336 : index
    %swap3A_138 = tpu.vector_load %arg5[%swap3A_137] {strides = array<i32>} : memref<512xi32, #tpu.memory_space<vmem>>, vector<16xi32>,
    tpu.vector_store %arg5[%swap3A_137], %add3A_136 {strides = array<i32>} : memref<512xi32, #tpu.memory_space<vmem>>, vector<16xi32>,
    %get3A_139 = arith.constant 352 : index
    %get3A_140 = tpu.vector_load %arg5[%get3A_139] {strides = array<i32>} : memref<512xi32, #tpu.memory_space<vmem>>, vector<16xi32>,
    %add3A_141 = vector.broadcast %mul3A_8 : i32 to vector<16xi32>
    %add3A_142 = arith.addi %get3A_140, %add3A_141 : vector<16xi32>
    %swap3A_143 = arith.constant 352 : index
    %swap3A_144 = tpu.vector_load %arg5[%swap3A_143] {strides = array<i32>} : memref<512xi32, #tpu.memory_space<vmem>>, vector<16xi32>,
    tpu.vector_store %arg5[%swap3A_143], %add3A_142 {strides = array<i32>} : memref<512xi32, #tpu.memory_space<vmem>>, vector<16xi32>,
    %get3A_145 = arith.constant 368 : index
    %get3A_146 = tpu.vector_load %arg5[%get3A_145] {strides = array<i32>} : memref<512xi32, #tpu.memory_space<vmem>>, vector<16xi32>,
    %add3A_147 = vector.broadcast %mul3A_8 : i32 to vector<16xi32>
    %add3A_148 = arith.addi %get3A_146, %add3A_147 : vector<16xi32>
    %swap3A_149 = arith.constant 368 : index
    %swap3A_150 = tpu.vector_load %arg5[%swap3A_149] {strides = array<i32>} : memref<512xi32, #tpu.memory_space<vmem>>, vector<16xi32>,
    tpu.vector_store %arg5[%swap3A_149], %add3A_148 {strides = array<i32>} : memref<512xi32, #tpu.memory_space<vmem>>, vector<16xi32>,
    %get3A_151 = arith.constant 384 : index
    %get3A_152 = tpu.vector_load %arg5[%get3A_151] {strides = array<i32>} : memref<512xi32, #tpu.memory_space<vmem>>, vector<16xi32>,
    %add3A_153 = vector.broadcast %mul3A_8 : i32 to vector<16xi32>
    %add3A_154 = arith.addi %get3A_152, %add3A_153 : vector<16xi32>
    %swap3A_155 = arith.constant 384 : index
    %swap3A_156 = tpu.vector_load %arg5[%swap3A_155] {strides = array<i32>} : memref<512xi32, #tpu.memory_space<vmem>>, vector<16xi32>,
    tpu.vector_store %arg5[%swap3A_155], %add3A_154 {strides = array<i32>} : memref<512xi32, #tpu.memory_space<vmem>>, vector<16xi32>,
    %get3A_157 = arith.constant 400 : index
    %get3A_158 = tpu.vector_load %arg5[%get3A_157] {strides = array<i32>} : memref<512xi32, #tpu.memory_space<vmem>>, vector<16xi32>,
    %add3A_159 = vector.broadcast %mul3A_8 : i32 to vector<16xi32>
    %add3A_160 = arith.addi %get3A_158, %add3A_159 : vector<16xi32>
    %swap3A_161 = arith.constant 400 : index
    %swap3A_162 = tpu.vector_load %arg5[%swap3A_161] {strides = array<i32>} : memref<512xi32, #tpu.memory_space<vmem>>, vector<16xi32>,
    tpu.vector_store %arg5[%swap3A_161], %add3A_160 {strides = array<i32>} : memref<512xi32, #tpu.memory_space<vmem>>, vector<16xi32>,
    %get3A_163 = arith.constant 416 : index
    %get3A_164 = tpu.vector_load %arg5[%get3A_163] {strides = array<i32>} : memref<512xi32, #tpu.memory_space<vmem>>, vector<16xi32>,
    %add3A_165 = vector.broadcast %mul3A_8 : i32 to vector<16xi32>
    %add3A_166 = arith.addi %get3A_164, %add3A_165 : vector<16xi32>
    %swap3A_167 = arith.constant 416 : index
    %swap3A_168 = tpu.vector_load %arg5[%swap3A_167] {strides = array<i32>} : memref<512xi32, #tpu.memory_space<vmem>>, vector<16xi32>,
    tpu.vector_store %arg5[%swap3A_167], %add3A_166 {strides = array<i32>} : memref<512xi32, #tpu.memory_space<vmem>>, vector<16xi32>,
    %get3A_169 = arith.constant 432 : index
    %get3A_170 = tpu.vector_load %arg5[%get3A_169] {strides = array<i32>} : memref<512xi32, #tpu.memory_space<vmem>>, vector<16xi32>,
    %add3A_171 = vector.broadcast %mul3A_8 : i32 to vector<16xi32>
    %add3A_172 = arith.addi %get3A_170, %add3A_171 : vector<16xi32>
    %swap3A_173 = arith.constant 432 : index
    %swap3A_174 = tpu.vector_load %arg5[%swap3A_173] {strides = array<i32>} : memref<512xi32, #tpu.memory_space<vmem>>, vector<16xi32>,
    tpu.vector_store %arg5[%swap3A_173], %add3A_172 {strides = array<i32>} : memref<512xi32, #tpu.memory_space<vmem>>, vector<16xi32>,
    %get3A_175 = arith.constant 448 : index
    %get3A_176 = tpu.vector_load %arg5[%get3A_175] {strides = array<i32>} : memref<512xi32, #tpu.memory_space<vmem>>, vector<16xi32>,
    %add3A_177 = vector.broadcast %mul3A_8 : i32 to vector<16xi32>
    %add3A_178 = arith.addi %get3A_176, %add3A_177 : vector<16xi32>
    %swap3A_179 = arith.constant 448 : index
    %swap3A_180 = tpu.vector_load %arg5[%swap3A_179] {strides = array<i32>} : memref<512xi32, #tpu.memory_space<vmem>>, vector<16xi32>,
    tpu.vector_store %arg5[%swap3A_179], %add3A_178 {strides = array<i32>} : memref<512xi32, #tpu.memory_space<vmem>>, vector<16xi32>,
    %get3A_181 = arith.constant 464 : index
    %get3A_182 = tpu.vector_load %arg5[%get3A_181] {strides = array<i32>} : memref<512xi32, #tpu.memory_space<vmem>>, vector<16xi32>,
    %add3A_183 = vector.broadcast %mul3A_8 : i32 to vector<16xi32>
    %add3A_184 = arith.addi %get3A_182, %add3A_183 : vector<16xi32>
    %swap3A_185 = arith.constant 464 : index
    %swap3A_186 = tpu.vector_load %arg5[%swap3A_185] {strides = array<i32>} : memref<512xi32, #tpu.memory_space<vmem>>, vector<16xi32>,
    tpu.vector_store %arg5[%swap3A_185], %add3A_184 {strides = array<i32>} : memref<512xi32, #tpu.memory_space<vmem>>, vector<16xi32>,
    %get3A_187 = arith.constant 480 : index
    %get3A_188 = tpu.vector_load %arg5[%get3A_187] {strides = array<i32>} : memref<512xi32, #tpu.memory_space<vmem>>, vector<16xi32>,
    %add3A_189 = vector.broadcast %mul3A_8 : i32 to vector<16xi32>
    %add3A_190 = arith.addi %get3A_188, %add3A_189 : vector<16xi32>
    %swap3A_191 = arith.constant 480 : index
    %swap3A_192 = tpu.vector_load %arg5[%swap3A_191] {strides = array<i32>} : memref<512xi32, #tpu.memory_space<vmem>>, vector<16xi32>,
    tpu.vector_store %arg5[%swap3A_191], %add3A_190 {strides = array<i32>} : memref<512xi32, #tpu.memory_space<vmem>>, vector<16xi32>,
    %get3A_193 = arith.constant 496 : index
    %get3A_194 = tpu.vector_load %arg5[%get3A_193] {strides = array<i32>} : memref<512xi32, #tpu.memory_space<vmem>>, vector<16xi32>,
    %add3A_195 = vector.broadcast %mul3A_8 : i32 to vector<16xi32>
    %add3A_196 = arith.addi %get3A_194, %add3A_195 : vector<16xi32>
    %swap3A_197 = arith.constant 496 : index
    %swap3A_198 = tpu.vector_load %arg5[%swap3A_197] {strides = array<i32>} : memref<512xi32, #tpu.memory_space<vmem>>, vector<16xi32>,
    tpu.vector_store %arg5[%swap3A_197], %add3A_196 {strides = array<i32>} : memref<512xi32, #tpu.memory_space<vmem>>, vector<16xi32>,
    %dma_wait3A = arith.constant 0 : i32
    %dma_wait3A_199 = tpu.memref_slice %arg6[%multiple_of3A_5, %dma_wait3A] : memref<256x728xf32, #tpu.memory_space<vmem_shared>> -> memref<10x728xf32, #tpu.memory_space<vmem_shared>>
    tpu.wait_dma2 semaphore(%arg11 : memref<!tpu.dma_semaphore, #tpu.memory_space<semaphore_mem>>) src(%arg3 : memref<10x728xf32, #tpu.memory_space<hbm>>) dst(%dma_wait3A_199 : memref<10x728xf32, #tpu.memory_space<vmem_shared>>)
    %multiple_of3A_200 = arith.constant 0 : i32
    %multiple_of3A_201 = tpu.assume_multiple %multiple_of3A_200, 32 : i32
    %dma_start3A_202 = tpu.memref_slice %arg5[%multiple_of3A_201] : memref<512xi32, #tpu.memory_space<vmem>> -> memref<32xi32, #tpu.memory_space<vmem>>
    %dma_start3A_203 = arith.constant 0 : i32
    %dma_start3A_204 = arith.constant 0 : i32
    %dma_start3A_205 = tpu.memref_slice %arg6[%dma_start3A_203, %dma_start3A_204] : memref<256x728xf32, #tpu.memory_space<vmem_shared>> -> memref<256x728xf32, #tpu.memory_space<vmem_shared>>
    tpu.enqueue_indirect_dma source(%dma_start3A_205 : memref<256x728xf32, #tpu.memory_space<vmem_shared>>) target(%arg7 : memref<32x728xf32, #tpu.memory_space<vmem>>) offsets(%dma_start3A_202 : memref<32xi32, #tpu.memory_space<vmem>>) semaphore(%arg11 : memref<!tpu.dma_semaphore, #tpu.memory_space<semaphore_mem>>)
    %multiple_of3A_206 = arith.constant 32 : i32
    %multiple_of3A_207 = tpu.assume_multiple %multiple_of3A_206, 32 : i32
    %dma_start3A_208 = tpu.memref_slice %arg5[%multiple_of3A_207] : memref<512xi32, #tpu.memory_space<vmem>> -> memref<32xi32, #tpu.memory_space<vmem>>
    %dma_start3A_209 = arith.constant 0 : i32
    %dma_start3A_210 = arith.constant 0 : i32
    %dma_start3A_211 = tpu.memref_slice %arg6[%dma_start3A_209, %dma_start3A_210] : memref<256x728xf32, #tpu.memory_space<vmem_shared>> -> memref<256x728xf32, #tpu.memory_space<vmem_shared>>
    tpu.enqueue_indirect_dma source(%dma_start3A_211 : memref<256x728xf32, #tpu.memory_space<vmem_shared>>) target(%arg8 : memref<32x728xf32, #tpu.memory_space<vmem>>) offsets(%dma_start3A_208 : memref<32xi32, #tpu.memory_space<vmem>>) semaphore(%arg12 : memref<!tpu.dma_semaphore, #tpu.memory_space<semaphore_mem>>)
    %multiple_of3A_212 = arith.constant 64 : i32
    %multiple_of3A_213 = tpu.assume_multiple %multiple_of3A_212, 32 : i32
    %dma_start3A_214 = tpu.memref_slice %arg5[%multiple_of3A_213] : memref<512xi32, #tpu.memory_space<vmem>> -> memref<32xi32, #tpu.memory_space<vmem>>
    %dma_start3A_215 = arith.constant 0 : i32
    %dma_start3A_216 = arith.constant 0 : i32
    %dma_start3A_217 = tpu.memref_slice %arg6[%dma_start3A_215, %dma_start3A_216] : memref<256x728xf32, #tpu.memory_space<vmem_shared>> -> memref<256x728xf32, #tpu.memory_space<vmem_shared>>
    tpu.enqueue_indirect_dma source(%dma_start3A_217 : memref<256x728xf32, #tpu.memory_space<vmem_shared>>) target(%arg9 : memref<32x728xf32, #tpu.memory_space<vmem>>) offsets(%dma_start3A_214 : memref<32xi32, #tpu.memory_space<vmem>>) semaphore(%arg13 : memref<!tpu.dma_semaphore, #tpu.memory_space<semaphore_mem>>)
    %multiple_of3A_218 = arith.constant 96 : i32
    %multiple_of3A_219 = tpu.assume_multiple %multiple_of3A_218, 32 : i32
    %dma_start3A_220 = tpu.memref_slice %arg5[%multiple_of3A_219] : memref<512xi32, #tpu.memory_space<vmem>> -> memref<32xi32, #tpu.memory_space<vmem>>
    %dma_start3A_221 = arith.constant 0 : i32
    %dma_start3A_222 = arith.constant 0 : i32
    %dma_start3A_223 = tpu.memref_slice %arg6[%dma_start3A_221, %dma_start3A_222] : memref<256x728xf32, #tpu.memory_space<vmem_shared>> -> memref<256x728xf32, #tpu.memory_space<vmem_shared>>
    tpu.enqueue_indirect_dma source(%dma_start3A_223 : memref<256x728xf32, #tpu.memory_space<vmem_shared>>) target(%arg10 : memref<32x728xf32, #tpu.memory_space<vmem>>) offsets(%dma_start3A_220 : memref<32xi32, #tpu.memory_space<vmem>>) semaphore(%arg14 : memref<!tpu.dma_semaphore, #tpu.memory_space<semaphore_mem>>)
    %multiple_of3A_224 = arith.constant 0 : i32
    %multiple_of3A_225 = tpu.assume_multiple %multiple_of3A_224, 32 : i32
    %dma_wait3A_226 = tpu.memref_slice %arg5[%multiple_of3A_225] : memref<512xi32, #tpu.memory_space<vmem>> -> memref<32xi32, #tpu.memory_space<vmem>>
    %dma_wait3A_227 = arith.constant 0 : i32
    %dma_wait3A_228 = arith.constant 0 : i32
    %dma_wait3A_229 = tpu.memref_slice %arg6[%dma_wait3A_227, %dma_wait3A_228] : memref<256x728xf32, #tpu.memory_space<vmem_shared>> -> memref<256x728xf32, #tpu.memory_space<vmem_shared>>
    tpu.wait_indirect_dma semaphore(%arg11 : memref<!tpu.dma_semaphore, #tpu.memory_space<semaphore_mem>>) src(%dma_wait3A_229 : memref<256x728xf32, #tpu.memory_space<vmem_shared>>) dst(%arg7 : memref<32x728xf32, #tpu.memory_space<vmem>>)
    %multiple_of3A_230 = arith.constant 0 : i32
    %multiple_of3A_231 = tpu.assume_multiple %multiple_of3A_230, 32 : i32
    %add3A_232 = arith.addi %multiple_of3A, %multiple_of3A_231 : i32
    %dma_start3A_233 = arith.constant 0 : i32
    %dma_start3A_234 = tpu.memref_slice %arg4[%add3A_232, %dma_start3A_233] : memref<16384x728xf32, #tpu.memory_space<hbm>> -> memref<32x728xf32, #tpu.memory_space<hbm>>
    %dma_start3A_235 = arith.constant 0 : i32
    %dma_start3A_236 = tpu.memref_slice %arg4[%add3A_232, %dma_start3A_235] : memref<16384x728xf32, #tpu.memory_space<hbm>> -> memref<32x728xf32, #tpu.memory_space<hbm>>
    tpu.enqueue_dma source(%arg7 : memref<32x728xf32, #tpu.memory_space<vmem>>) target(%dma_start3A_236 : memref<32x728xf32, #tpu.memory_space<hbm>>) target_semaphore(%arg15 : memref<!tpu.dma_semaphore, #tpu.memory_space<semaphore_mem>>)
    %multiple_of3A_237 = arith.constant 0 : i32
    %multiple_of3A_238 = tpu.assume_multiple %multiple_of3A_237, 32 : i32
    %add3A_239 = arith.addi %multiple_of3A, %multiple_of3A_238 : i32
    %dma_wait3A_240 = arith.constant 0 : i32
    %dma_wait3A_241 = tpu.memref_slice %arg4[%add3A_239, %dma_wait3A_240] : memref<16384x728xf32, #tpu.memory_space<hbm>> -> memref<32x728xf32, #tpu.memory_space<hbm>>
    %dma_wait3A_242 = arith.constant 0 : i32
    %dma_wait3A_243 = tpu.memref_slice %arg4[%add3A_239, %dma_wait3A_242] : memref<16384x728xf32, #tpu.memory_space<hbm>> -> memref<32x728xf32, #tpu.memory_space<hbm>>
    tpu.wait_dma2 semaphore(%arg15 : memref<!tpu.dma_semaphore, #tpu.memory_space<semaphore_mem>>) src(%arg7 : memref<32x728xf32, #tpu.memory_space<vmem>>) dst(%dma_wait3A_243 : memref<32x728xf32, #tpu.memory_space<hbm>>)
    %multiple_of3A_244 = arith.constant 128 : i32
    %multiple_of3A_245 = tpu.assume_multiple %multiple_of3A_244, 32 : i32
    %dma_start3A_246 = tpu.memref_slice %arg5[%multiple_of3A_245] : memref<512xi32, #tpu.memory_space<vmem>> -> memref<32xi32, #tpu.memory_space<vmem>>
    %dma_start3A_247 = arith.constant 0 : i32
    %dma_start3A_248 = arith.constant 0 : i32
    %dma_start3A_249 = tpu.memref_slice %arg6[%dma_start3A_247, %dma_start3A_248] : memref<256x728xf32, #tpu.memory_space<vmem_shared>> -> memref<256x728xf32, #tpu.memory_space<vmem_shared>>
    tpu.enqueue_indirect_dma source(%dma_start3A_249 : memref<256x728xf32, #tpu.memory_space<vmem_shared>>) target(%arg7 : memref<32x728xf32, #tpu.memory_space<vmem>>) offsets(%dma_start3A_246 : memref<32xi32, #tpu.memory_space<vmem>>) semaphore(%arg11 : memref<!tpu.dma_semaphore, #tpu.memory_space<semaphore_mem>>)
    %multiple_of3A_250 = arith.constant 32 : i32
    %multiple_of3A_251 = tpu.assume_multiple %multiple_of3A_250, 32 : i32
    %dma_wait3A_252 = tpu.memref_slice %arg5[%multiple_of3A_251] : memref<512xi32, #tpu.memory_space<vmem>> -> memref<32xi32, #tpu.memory_space<vmem>>
    %dma_wait3A_253 = arith.constant 0 : i32
    %dma_wait3A_254 = arith.constant 0 : i32
    %dma_wait3A_255 = tpu.memref_slice %arg6[%dma_wait3A_253, %dma_wait3A_254] : memref<256x728xf32, #tpu.memory_space<vmem_shared>> -> memref<256x728xf32, #tpu.memory_space<vmem_shared>>
    tpu.wait_indirect_dma semaphore(%arg12 : memref<!tpu.dma_semaphore, #tpu.memory_space<semaphore_mem>>) src(%dma_wait3A_255 : memref<256x728xf32, #tpu.memory_space<vmem_shared>>) dst(%arg8 : memref<32x728xf32, #tpu.memory_space<vmem>>)
    %multiple_of3A_256 = arith.constant 32 : i32
    %multiple_of3A_257 = tpu.assume_multiple %multiple_of3A_256, 32 : i32
    %add3A_258 = arith.addi %multiple_of3A, %multiple_of3A_257 : i32
    %dma_start3A_259 = arith.constant 0 : i32
    %dma_start3A_260 = tpu.memref_slice %arg4[%add3A_258, %dma_start3A_259] : memref<16384x728xf32, #tpu.memory_space<hbm>> -> memref<32x728xf32, #tpu.memory_space<hbm>>
    %dma_start3A_261 = arith.constant 0 : i32
    %dma_start3A_262 = tpu.memref_slice %arg4[%add3A_258, %dma_start3A_261] : memref<16384x728xf32, #tpu.memory_space<hbm>> -> memref<32x728xf32, #tpu.memory_space<hbm>>
    tpu.enqueue_dma source(%arg8 : memref<32x728xf32, #tpu.memory_space<vmem>>) target(%dma_start3A_262 : memref<32x728xf32, #tpu.memory_space<hbm>>) target_semaphore(%arg16 : memref<!tpu.dma_semaphore, #tpu.memory_space<semaphore_mem>>)
    %multiple_of3A_263 = arith.constant 32 : i32
    %multiple_of3A_264 = tpu.assume_multiple %multiple_of3A_263, 32 : i32
    %add3A_265 = arith.addi %multiple_of3A, %multiple_of3A_264 : i32
    %dma_wait3A_266 = arith.constant 0 : i32
    %dma_wait3A_267 = tpu.memref_slice %arg4[%add3A_265, %dma_wait3A_266] : memref<16384x728xf32, #tpu.memory_space<hbm>> -> memref<32x728xf32, #tpu.memory_space<hbm>>
    %dma_wait3A_268 = arith.constant 0 : i32
    %dma_wait3A_269 = tpu.memref_slice %arg4[%add3A_265, %dma_wait3A_268] : memref<16384x728xf32, #tpu.memory_space<hbm>> -> memref<32x728xf32, #tpu.memory_space<hbm>>
    tpu.wait_dma2 semaphore(%arg16 : memref<!tpu.dma_semaphore, #tpu.memory_space<semaphore_mem>>) src(%arg8 : memref<32x728xf32, #tpu.memory_space<vmem>>) dst(%dma_wait3A_269 : memref<32x728xf32, #tpu.memory_space<hbm>>)
    %multiple_of3A_270 = arith.constant 160 : i32
    %multiple_of3A_271 = tpu.assume_multiple %multiple_of3A_270, 32 : i32
    %dma_start3A_272 = tpu.memref_slice %arg5[%multiple_of3A_271] : memref<512xi32, #tpu.memory_space<vmem>> -> memref<32xi32, #tpu.memory_space<vmem>>
    %dma_start3A_273 = arith.constant 0 : i32
    %dma_start3A_274 = arith.constant 0 : i32
    %dma_start3A_275 = tpu.memref_slice %arg6[%dma_start3A_273, %dma_start3A_274] : memref<256x728xf32, #tpu.memory_space<vmem_shared>> -> memref<256x728xf32, #tpu.memory_space<vmem_shared>>
    tpu.enqueue_indirect_dma source(%dma_start3A_275 : memref<256x728xf32, #tpu.memory_space<vmem_shared>>) target(%arg8 : memref<32x728xf32, #tpu.memory_space<vmem>>) offsets(%dma_start3A_272 : memref<32xi32, #tpu.memory_space<vmem>>) semaphore(%arg12 : memref<!tpu.dma_semaphore, #tpu.memory_space<semaphore_mem>>)
    %multiple_of3A_276 = arith.constant 64 : i32
    %multiple_of3A_277 = tpu.assume_multiple %multiple_of3A_276, 32 : i32
    %dma_wait3A_278 = tpu.memref_slice %arg5[%multiple_of3A_277] : memref<512xi32, #tpu.memory_space<vmem>> -> memref<32xi32, #tpu.memory_space<vmem>>
    %dma_wait3A_279 = arith.constant 0 : i32
    %dma_wait3A_280 = arith.constant 0 : i32
    %dma_wait3A_281 = tpu.memref_slice %arg6[%dma_wait3A_279, %dma_wait3A_280] : memref<256x728xf32, #tpu.memory_space<vmem_shared>> -> memref<256x728xf32, #tpu.memory_space<vmem_shared>>
    tpu.wait_indirect_dma semaphore(%arg13 : memref<!tpu.dma_semaphore, #tpu.memory_space<semaphore_mem>>) src(%dma_wait3A_281 : memref<256x728xf32, #tpu.memory_space<vmem_shared>>) dst(%arg9 : memref<32x728xf32, #tpu.memory_space<vmem>>)
    %multiple_of3A_282 = arith.constant 64 : i32
    %multiple_of3A_283 = tpu.assume_multiple %multiple_of3A_282, 32 : i32
    %add3A_284 = arith.addi %multiple_of3A, %multiple_of3A_283 : i32
    %dma_start3A_285 = arith.constant 0 : i32
    %dma_start3A_286 = tpu.memref_slice %arg4[%add3A_284, %dma_start3A_285] : memref<16384x728xf32, #tpu.memory_space<hbm>> -> memref<32x728xf32, #tpu.memory_space<hbm>>
    %dma_start3A_287 = arith.constant 0 : i32
    %dma_start3A_288 = tpu.memref_slice %arg4[%add3A_284, %dma_start3A_287] : memref<16384x728xf32, #tpu.memory_space<hbm>> -> memref<32x728xf32, #tpu.memory_space<hbm>>
    tpu.enqueue_dma source(%arg9 : memref<32x728xf32, #tpu.memory_space<vmem>>) target(%dma_start3A_288 : memref<32x728xf32, #tpu.memory_space<hbm>>) target_semaphore(%arg17 : memref<!tpu.dma_semaphore, #tpu.memory_space<semaphore_mem>>)
    %multiple_of3A_289 = arith.constant 64 : i32
    %multiple_of3A_290 = tpu.assume_multiple %multiple_of3A_289, 32 : i32
    %add3A_291 = arith.addi %multiple_of3A, %multiple_of3A_290 : i32
    %dma_wait3A_292 = arith.constant 0 : i32
    %dma_wait3A_293 = tpu.memref_slice %arg4[%add3A_291, %dma_wait3A_292] : memref<16384x728xf32, #tpu.memory_space<hbm>> -> memref<32x728xf32, #tpu.memory_space<hbm>>
    %dma_wait3A_294 = arith.constant 0 : i32
    %dma_wait3A_295 = tpu.memref_slice %arg4[%add3A_291, %dma_wait3A_294] : memref<16384x728xf32, #tpu.memory_space<hbm>> -> memref<32x728xf32, #tpu.memory_space<hbm>>
    tpu.wait_dma2 semaphore(%arg17 : memref<!tpu.dma_semaphore, #tpu.memory_space<semaphore_mem>>) src(%arg9 : memref<32x728xf32, #tpu.memory_space<vmem>>) dst(%dma_wait3A_295 : memref<32x728xf32, #tpu.memory_space<hbm>>)
    %multiple_of3A_296 = arith.constant 192 : i32
    %multiple_of3A_297 = tpu.assume_multiple %multiple_of3A_296, 32 : i32
    %dma_start3A_298 = tpu.memref_slice %arg5[%multiple_of3A_297] : memref<512xi32, #tpu.memory_space<vmem>> -> memref<32xi32, #tpu.memory_space<vmem>>
    %dma_start3A_299 = arith.constant 0 : i32
    %dma_start3A_300 = arith.constant 0 : i32
    %dma_start3A_301 = tpu.memref_slice %arg6[%dma_start3A_299, %dma_start3A_300] : memref<256x728xf32, #tpu.memory_space<vmem_shared>> -> memref<256x728xf32, #tpu.memory_space<vmem_shared>>
    tpu.enqueue_indirect_dma source(%dma_start3A_301 : memref<256x728xf32, #tpu.memory_space<vmem_shared>>) target(%arg9 : memref<32x728xf32, #tpu.memory_space<vmem>>) offsets(%dma_start3A_298 : memref<32xi32, #tpu.memory_space<vmem>>) semaphore(%arg13 : memref<!tpu.dma_semaphore, #tpu.memory_space<semaphore_mem>>)
    %multiple_of3A_302 = arith.constant 96 : i32
    %multiple_of3A_303 = tpu.assume_multiple %multiple_of3A_302, 32 : i32
    %dma_wait3A_304 = tpu.memref_slice %arg5[%multiple_of3A_303] : memref<512xi32, #tpu.memory_space<vmem>> -> memref<32xi32, #tpu.memory_space<vmem>>
    %dma_wait3A_305 = arith.constant 0 : i32
    %dma_wait3A_306 = arith.constant 0 : i32
    %dma_wait3A_307 = tpu.memref_slice %arg6[%dma_wait3A_305, %dma_wait3A_306] : memref<256x728xf32, #tpu.memory_space<vmem_shared>> -> memref<256x728xf32, #tpu.memory_space<vmem_shared>>
    tpu.wait_indirect_dma semaphore(%arg14 : memref<!tpu.dma_semaphore, #tpu.memory_space<semaphore_mem>>) src(%dma_wait3A_307 : memref<256x728xf32, #tpu.memory_space<vmem_shared>>) dst(%arg10 : memref<32x728xf32, #tpu.memory_space<vmem>>)
    %multiple_of3A_308 = arith.constant 96 : i32
    %multiple_of3A_309 = tpu.assume_multiple %multiple_of3A_308, 32 : i32
    %add3A_310 = arith.addi %multiple_of3A, %multiple_of3A_309 : i32
    %dma_start3A_311 = arith.constant 0 : i32
    %dma_start3A_312 = tpu.memref_slice %arg4[%add3A_310, %dma_start3A_311] : memref<16384x728xf32, #tpu.memory_space<hbm>> -> memref<32x728xf32, #tpu.memory_space<hbm>>
    %dma_start3A_313 = arith.constant 0 : i32
    %dma_start3A_314 = tpu.memref_slice %arg4[%add3A_310, %dma_start3A_313] : memref<16384x728xf32, #tpu.memory_space<hbm>> -> memref<32x728xf32, #tpu.memory_space<hbm>>
    tpu.enqueue_dma source(%arg10 : memref<32x728xf32, #tpu.memory_space<vmem>>) target(%dma_start3A_314 : memref<32x728xf32, #tpu.memory_space<hbm>>) target_semaphore(%arg18 : memref<!tpu.dma_semaphore, #tpu.memory_space<semaphore_mem>>)
    %multiple_of3A_315 = arith.constant 96 : i32
    %multiple_of3A_316 = tpu.assume_multiple %multiple_of3A_315, 32 : i32
    %add3A_317 = arith.addi %multiple_of3A, %multiple_of3A_316 : i32
    %dma_wait3A_318 = arith.constant 0 : i32
    %dma_wait3A_319 = tpu.memref_slice %arg4[%add3A_317, %dma_wait3A_318] : memref<16384x728xf32, #tpu.memory_space<hbm>> -> memref<32x728xf32, #tpu.memory_space<hbm>>
    %dma_wait3A_320 = arith.constant 0 : i32
    %dma_wait3A_321 = tpu.memref_slice %arg4[%add3A_317, %dma_wait3A_320] : memref<16384x728xf32, #tpu.memory_space<hbm>> -> memref<32x728xf32, #tpu.memory_space<hbm>>
    tpu.wait_dma2 semaphore(%arg18 : memref<!tpu.dma_semaphore, #tpu.memory_space<semaphore_mem>>) src(%arg10 : memref<32x728xf32, #tpu.memory_space<vmem>>) dst(%dma_wait3A_321 : memref<32x728xf32, #tpu.memory_space<hbm>>)
    %multiple_of3A_322 = arith.constant 224 : i32
    %multiple_of3A_323 = tpu.assume_multiple %multiple_of3A_322, 32 : i32
    %dma_start3A_324 = tpu.memref_slice %arg5[%multiple_of3A_323] : memref<512xi32, #tpu.memory_space<vmem>> -> memref<32xi32, #tpu.memory_space<vmem>>
    %dma_start3A_325 = arith.constant 0 : i32
    %dma_start3A_326 = arith.constant 0 : i32
    %dma_start3A_327 = tpu.memref_slice %arg6[%dma_start3A_325, %dma_start3A_326] : memref<256x728xf32, #tpu.memory_space<vmem_shared>> -> memref<256x728xf32, #tpu.memory_space<vmem_shared>>
    tpu.enqueue_indirect_dma source(%dma_start3A_327 : memref<256x728xf32, #tpu.memory_space<vmem_shared>>) target(%arg10 : memref<32x728xf32, #tpu.memory_space<vmem>>) offsets(%dma_start3A_324 : memref<32xi32, #tpu.memory_space<vmem>>) semaphore(%arg14 : memref<!tpu.dma_semaphore, #tpu.memory_space<semaphore_mem>>)
    %multiple_of3A_328 = arith.constant 128 : i32
    %multiple_of3A_329 = tpu.assume_multiple %multiple_of3A_328, 32 : i32
    %dma_wait3A_330 = tpu.memref_slice %arg5[%multiple_of3A_329] : memref<512xi32, #tpu.memory_space<vmem>> -> memref<32xi32, #tpu.memory_space<vmem>>
    %dma_wait3A_331 = arith.constant 0 : i32
    %dma_wait3A_332 = arith.constant 0 : i32
    %dma_wait3A_333 = tpu.memref_slice %arg6[%dma_wait3A_331, %dma_wait3A_332] : memref<256x728xf32, #tpu.memory_space<vmem_shared>> -> memref<256x728xf32, #tpu.memory_space<vmem_shared>>
    tpu.wait_indirect_dma semaphore(%arg11 : memref<!tpu.dma_semaphore, #tpu.memory_space<semaphore_mem>>) src(%dma_wait3A_333 : memref<256x728xf32, #tpu.memory_space<vmem_shared>>) dst(%arg7 : memref<32x728xf32, #tpu.memory_space<vmem>>)
    %multiple_of3A_334 = arith.constant 128 : i32
    %multiple_of3A_335 = tpu.assume_multiple %multiple_of3A_334, 32 : i32
    %add3A_336 = arith.addi %multiple_of3A, %multiple_of3A_335 : i32
    %dma_start3A_337 = arith.constant 0 : i32
    %dma_start3A_338 = tpu.memref_slice %arg4[%add3A_336, %dma_start3A_337] : memref<16384x728xf32, #tpu.memory_space<hbm>> -> memref<32x728xf32, #tpu.memory_space<hbm>>
    %dma_start3A_339 = arith.constant 0 : i32
    %dma_start3A_340 = tpu.memref_slice %arg4[%add3A_336, %dma_start3A_339] : memref<16384x728xf32, #tpu.memory_space<hbm>> -> memref<32x728xf32, #tpu.memory_space<hbm>>
    tpu.enqueue_dma source(%arg7 : memref<32x728xf32, #tpu.memory_space<vmem>>) target(%dma_start3A_340 : memref<32x728xf32, #tpu.memory_space<hbm>>) target_semaphore(%arg15 : memref<!tpu.dma_semaphore, #tpu.memory_space<semaphore_mem>>)
    %multiple_of3A_341 = arith.constant 128 : i32
    %multiple_of3A_342 = tpu.assume_multiple %multiple_of3A_341, 32 : i32
    %add3A_343 = arith.addi %multiple_of3A, %multiple_of3A_342 : i32
    %dma_wait3A_344 = arith.constant 0 : i32
    %dma_wait3A_345 = tpu.memref_slice %arg4[%add3A_343, %dma_wait3A_344] : memref<16384x728xf32, #tpu.memory_space<hbm>> -> memref<32x728xf32, #tpu.memory_space<hbm>>
    %dma_wait3A_346 = arith.constant 0 : i32
    %dma_wait3A_347 = tpu.memref_slice %arg4[%add3A_343, %dma_wait3A_346] : memref<16384x728xf32, #tpu.memory_space<hbm>> -> memref<32x728xf32, #tpu.memory_space<hbm>>
    tpu.wait_dma2 semaphore(%arg15 : memref<!tpu.dma_semaphore, #tpu.memory_space<semaphore_mem>>) src(%arg7 : memref<32x728xf32, #tpu.memory_space<vmem>>) dst(%dma_wait3A_347 : memref<32x728xf32, #tpu.memory_space<hbm>>)
    %multiple_of3A_348 = arith.constant 256 : i32
    %multiple_of3A_349 = tpu.assume_multiple %multiple_of3A_348, 32 : i32
    %dma_start3A_350 = tpu.memref_slice %arg5[%multiple_of3A_349] : memref<512xi32, #tpu.memory_space<vmem>> -> memref<32xi32, #tpu.memory_space<vmem>>
    %dma_start3A_351 = arith.constant 0 : i32
    %dma_start3A_352 = arith.constant 0 : i32
    %dma_start3A_353 = tpu.memref_slice %arg6[%dma_start3A_351, %dma_start3A_352] : memref<256x728xf32, #tpu.memory_space<vmem_shared>> -> memref<256x728xf32, #tpu.memory_space<vmem_shared>>
    tpu.enqueue_indirect_dma source(%dma_start3A_353 : memref<256x728xf32, #tpu.memory_space<vmem_shared>>) target(%arg7 : memref<32x728xf32, #tpu.memory_space<vmem>>) offsets(%dma_start3A_350 : memref<32xi32, #tpu.memory_space<vmem>>) semaphore(%arg11 : memref<!tpu.dma_semaphore, #tpu.memory_space<semaphore_mem>>)
    %multiple_of3A_354 = arith.constant 160 : i32
    %multiple_of3A_355 = tpu.assume_multiple %multiple_of3A_354, 32 : i32
    %dma_wait3A_356 = tpu.memref_slice %arg5[%multiple_of3A_355] : memref<512xi32, #tpu.memory_space<vmem>> -> memref<32xi32, #tpu.memory_space<vmem>>
    %dma_wait3A_357 = arith.constant 0 : i32
    %dma_wait3A_358 = arith.constant 0 : i32
    %dma_wait3A_359 = tpu.memref_slice %arg6[%dma_wait3A_357, %dma_wait3A_358] : memref<256x728xf32, #tpu.memory_space<vmem_shared>> -> memref<256x728xf32, #tpu.memory_space<vmem_shared>>
    tpu.wait_indirect_dma semaphore(%arg12 : memref<!tpu.dma_semaphore, #tpu.memory_space<semaphore_mem>>) src(%dma_wait3A_359 : memref<256x728xf32, #tpu.memory_space<vmem_shared>>) dst(%arg8 : memref<32x728xf32, #tpu.memory_space<vmem>>)
    %multiple_of3A_360 = arith.constant 160 : i32
    %multiple_of3A_361 = tpu.assume_multiple %multiple_of3A_360, 32 : i32
    %add3A_362 = arith.addi %multiple_of3A, %multiple_of3A_361 : i32
    %dma_start3A_363 = arith.constant 0 : i32
    %dma_start3A_364 = tpu.memref_slice %arg4[%add3A_362, %dma_start3A_363] : memref<16384x728xf32, #tpu.memory_space<hbm>> -> memref<32x728xf32, #tpu.memory_space<hbm>>
    %dma_start3A_365 = arith.constant 0 : i32
    %dma_start3A_366 = tpu.memref_slice %arg4[%add3A_362, %dma_start3A_365] : memref<16384x728xf32, #tpu.memory_space<hbm>> -> memref<32x728xf32, #tpu.memory_space<hbm>>
    tpu.enqueue_dma source(%arg8 : memref<32x728xf32, #tpu.memory_space<vmem>>) target(%dma_start3A_366 : memref<32x728xf32, #tpu.memory_space<hbm>>) target_semaphore(%arg16 : memref<!tpu.dma_semaphore, #tpu.memory_space<semaphore_mem>>)
    %multiple_of3A_367 = arith.constant 160 : i32
    %multiple_of3A_368 = tpu.assume_multiple %multiple_of3A_367, 32 : i32
    %add3A_369 = arith.addi %multiple_of3A, %multiple_of3A_368 : i32
    %dma_wait3A_370 = arith.constant 0 : i32
    %dma_wait3A_371 = tpu.memref_slice %arg4[%add3A_369, %dma_wait3A_370] : memref<16384x728xf32, #tpu.memory_space<hbm>> -> memref<32x728xf32, #tpu.memory_space<hbm>>
    %dma_wait3A_372 = arith.constant 0 : i32
    %dma_wait3A_373 = tpu.memref_slice %arg4[%add3A_369, %dma_wait3A_372] : memref<16384x728xf32, #tpu.memory_space<hbm>> -> memref<32x728xf32, #tpu.memory_space<hbm>>
    tpu.wait_dma2 semaphore(%arg16 : memref<!tpu.dma_semaphore, #tpu.memory_space<semaphore_mem>>) src(%arg8 : memref<32x728xf32, #tpu.memory_space<vmem>>) dst(%dma_wait3A_373 : memref<32x728xf32, #tpu.memory_space<hbm>>)
    %multiple_of3A_374 = arith.constant 288 : i32
    %multiple_of3A_375 = tpu.assume_multiple %multiple_of3A_374, 32 : i32
    %dma_start3A_376 = tpu.memref_slice %arg5[%multiple_of3A_375] : memref<512xi32, #tpu.memory_space<vmem>> -> memref<32xi32, #tpu.memory_space<vmem>>
    %dma_start3A_377 = arith.constant 0 : i32
    %dma_start3A_378 = arith.constant 0 : i32
    %dma_start3A_379 = tpu.memref_slice %arg6[%dma_start3A_377, %dma_start3A_378] : memref<256x728xf32, #tpu.memory_space<vmem_shared>> -> memref<256x728xf32, #tpu.memory_space<vmem_shared>>
    tpu.enqueue_indirect_dma source(%dma_start3A_379 : memref<256x728xf32, #tpu.memory_space<vmem_shared>>) target(%arg8 : memref<32x728xf32, #tpu.memory_space<vmem>>) offsets(%dma_start3A_376 : memref<32xi32, #tpu.memory_space<vmem>>) semaphore(%arg12 : memref<!tpu.dma_semaphore, #tpu.memory_space<semaphore_mem>>)
    %multiple_of3A_380 = arith.constant 192 : i32
    %multiple_of3A_381 = tpu.assume_multiple %multiple_of3A_380, 32 : i32
    %dma_wait3A_382 = tpu.memref_slice %arg5[%multiple_of3A_381] : memref<512xi32, #tpu.memory_space<vmem>> -> memref<32xi32, #tpu.memory_space<vmem>>
    %dma_wait3A_383 = arith.constant 0 : i32
    %dma_wait3A_384 = arith.constant 0 : i32
    %dma_wait3A_385 = tpu.memref_slice %arg6[%dma_wait3A_383, %dma_wait3A_384] : memref<256x728xf32, #tpu.memory_space<vmem_shared>> -> memref<256x728xf32, #tpu.memory_space<vmem_shared>>
    tpu.wait_indirect_dma semaphore(%arg13 : memref<!tpu.dma_semaphore, #tpu.memory_space<semaphore_mem>>) src(%dma_wait3A_385 : memref<256x728xf32, #tpu.memory_space<vmem_shared>>) dst(%arg9 : memref<32x728xf32, #tpu.memory_space<vmem>>)
    %multiple_of3A_386 = arith.constant 192 : i32
    %multiple_of3A_387 = tpu.assume_multiple %multiple_of3A_386, 32 : i32
    %add3A_388 = arith.addi %multiple_of3A, %multiple_of3A_387 : i32
    %dma_start3A_389 = arith.constant 0 : i32
    %dma_start3A_390 = tpu.memref_slice %arg4[%add3A_388, %dma_start3A_389] : memref<16384x728xf32, #tpu.memory_space<hbm>> -> memref<32x728xf32, #tpu.memory_space<hbm>>
    %dma_start3A_391 = arith.constant 0 : i32
    %dma_start3A_392 = tpu.memref_slice %arg4[%add3A_388, %dma_start3A_391] : memref<16384x728xf32, #tpu.memory_space<hbm>> -> memref<32x728xf32, #tpu.memory_space<hbm>>
    tpu.enqueue_dma source(%arg9 : memref<32x728xf32, #tpu.memory_space<vmem>>) target(%dma_start3A_392 : memref<32x728xf32, #tpu.memory_space<hbm>>) target_semaphore(%arg17 : memref<!tpu.dma_semaphore, #tpu.memory_space<semaphore_mem>>)
    %multiple_of3A_393 = arith.constant 192 : i32
    %multiple_of3A_394 = tpu.assume_multiple %multiple_of3A_393, 32 : i32
    %add3A_395 = arith.addi %multiple_of3A, %multiple_of3A_394 : i32
    %dma_wait3A_396 = arith.constant 0 : i32
    %dma_wait3A_397 = tpu.memref_slice %arg4[%add3A_395, %dma_wait3A_396] : memref<16384x728xf32, #tpu.memory_space<hbm>> -> memref<32x728xf32, #tpu.memory_space<hbm>>
    %dma_wait3A_398 = arith.constant 0 : i32
    %dma_wait3A_399 = tpu.memref_slice %arg4[%add3A_395, %dma_wait3A_398] : memref<16384x728xf32, #tpu.memory_space<hbm>> -> memref<32x728xf32, #tpu.memory_space<hbm>>
    tpu.wait_dma2 semaphore(%arg17 : memref<!tpu.dma_semaphore, #tpu.memory_space<semaphore_mem>>) src(%arg9 : memref<32x728xf32, #tpu.memory_space<vmem>>) dst(%dma_wait3A_399 : memref<32x728xf32, #tpu.memory_space<hbm>>)
    %multiple_of3A_400 = arith.constant 320 : i32
    %multiple_of3A_401 = tpu.assume_multiple %multiple_of3A_400, 32 : i32
    %dma_start3A_402 = tpu.memref_slice %arg5[%multiple_of3A_401] : memref<512xi32, #tpu.memory_space<vmem>> -> memref<32xi32, #tpu.memory_space<vmem>>
    %dma_start3A_403 = arith.constant 0 : i32
    %dma_start3A_404 = arith.constant 0 : i32
    %dma_start3A_405 = tpu.memref_slice %arg6[%dma_start3A_403, %dma_start3A_404] : memref<256x728xf32, #tpu.memory_space<vmem_shared>> -> memref<256x728xf32, #tpu.memory_space<vmem_shared>>
    tpu.enqueue_indirect_dma source(%dma_start3A_405 : memref<256x728xf32, #tpu.memory_space<vmem_shared>>) target(%arg9 : memref<32x728xf32, #tpu.memory_space<vmem>>) offsets(%dma_start3A_402 : memref<32xi32, #tpu.memory_space<vmem>>) semaphore(%arg13 : memref<!tpu.dma_semaphore, #tpu.memory_space<semaphore_mem>>)
    %multiple_of3A_406 = arith.constant 224 : i32
    %multiple_of3A_407 = tpu.assume_multiple %multiple_of3A_406, 32 : i32
    %dma_wait3A_408 = tpu.memref_slice %arg5[%multiple_of3A_407] : memref<512xi32, #tpu.memory_space<vmem>> -> memref<32xi32, #tpu.memory_space<vmem>>
    %dma_wait3A_409 = arith.constant 0 : i32
    %dma_wait3A_410 = arith.constant 0 : i32
    %dma_wait3A_411 = tpu.memref_slice %arg6[%dma_wait3A_409, %dma_wait3A_410] : memref<256x728xf32, #tpu.memory_space<vmem_shared>> -> memref<256x728xf32, #tpu.memory_space<vmem_shared>>
    tpu.wait_indirect_dma semaphore(%arg14 : memref<!tpu.dma_semaphore, #tpu.memory_space<semaphore_mem>>) src(%dma_wait3A_411 : memref<256x728xf32, #tpu.memory_space<vmem_shared>>) dst(%arg10 : memref<32x728xf32, #tpu.memory_space<vmem>>)
    %multiple_of3A_412 = arith.constant 224 : i32
    %multiple_of3A_413 = tpu.assume_multiple %multiple_of3A_412, 32 : i32
    %add3A_414 = arith.addi %multiple_of3A, %multiple_of3A_413 : i32
    %dma_start3A_415 = arith.constant 0 : i32
    %dma_start3A_416 = tpu.memref_slice %arg4[%add3A_414, %dma_start3A_415] : memref<16384x728xf32, #tpu.memory_space<hbm>> -> memref<32x728xf32, #tpu.memory_space<hbm>>
    %dma_start3A_417 = arith.constant 0 : i32
    %dma_start3A_418 = tpu.memref_slice %arg4[%add3A_414, %dma_start3A_417] : memref<16384x728xf32, #tpu.memory_space<hbm>> -> memref<32x728xf32, #tpu.memory_space<hbm>>
    tpu.enqueue_dma source(%arg10 : memref<32x728xf32, #tpu.memory_space<vmem>>) target(%dma_start3A_418 : memref<32x728xf32, #tpu.memory_space<hbm>>) target_semaphore(%arg18 : memref<!tpu.dma_semaphore, #tpu.memory_space<semaphore_mem>>)
    %multiple_of3A_419 = arith.constant 224 : i32
    %multiple_of3A_420 = tpu.assume_multiple %multiple_of3A_419, 32 : i32
    %add3A_421 = arith.addi %multiple_of3A, %multiple_of3A_420 : i32
    %dma_wait3A_422 = arith.constant 0 : i32
    %dma_wait3A_423 = tpu.memref_slice %arg4[%add3A_421, %dma_wait3A_422] : memref<16384x728xf32, #tpu.memory_space<hbm>> -> memref<32x728xf32, #tpu.memory_space<hbm>>
    %dma_wait3A_424 = arith.constant 0 : i32
    %dma_wait3A_425 = tpu.memref_slice %arg4[%add3A_421, %dma_wait3A_424] : memref<16384x728xf32, #tpu.memory_space<hbm>> -> memref<32x728xf32, #tpu.memory_space<hbm>>
    tpu.wait_dma2 semaphore(%arg18 : memref<!tpu.dma_semaphore, #tpu.memory_space<semaphore_mem>>) src(%arg10 : memref<32x728xf32, #tpu.memory_space<vmem>>) dst(%dma_wait3A_425 : memref<32x728xf32, #tpu.memory_space<hbm>>)
    %multiple_of3A_426 = arith.constant 352 : i32
    %multiple_of3A_427 = tpu.assume_multiple %multiple_of3A_426, 32 : i32
    %dma_start3A_428 = tpu.memref_slice %arg5[%multiple_of3A_427] : memref<512xi32, #tpu.memory_space<vmem>> -> memref<32xi32, #tpu.memory_space<vmem>>
    %dma_start3A_429 = arith.constant 0 : i32
    %dma_start3A_430 = arith.constant 0 : i32
    %dma_start3A_431 = tpu.memref_slice %arg6[%dma_start3A_429, %dma_start3A_430] : memref<256x728xf32, #tpu.memory_space<vmem_shared>> -> memref<256x728xf32, #tpu.memory_space<vmem_shared>>
    tpu.enqueue_indirect_dma source(%dma_start3A_431 : memref<256x728xf32, #tpu.memory_space<vmem_shared>>) target(%arg10 : memref<32x728xf32, #tpu.memory_space<vmem>>) offsets(%dma_start3A_428 : memref<32xi32, #tpu.memory_space<vmem>>) semaphore(%arg14 : memref<!tpu.dma_semaphore, #tpu.memory_space<semaphore_mem>>)
    %multiple_of3A_432 = arith.constant 256 : i32
    %multiple_of3A_433 = tpu.assume_multiple %multiple_of3A_432, 32 : i32
    %dma_wait3A_434 = tpu.memref_slice %arg5[%multiple_of3A_433] : memref<512xi32, #tpu.memory_space<vmem>> -> memref<32xi32, #tpu.memory_space<vmem>>
    %dma_wait3A_435 = arith.constant 0 : i32
    %dma_wait3A_436 = arith.constant 0 : i32
    %dma_wait3A_437 = tpu.memref_slice %arg6[%dma_wait3A_435, %dma_wait3A_436] : memref<256x728xf32, #tpu.memory_space<vmem_shared>> -> memref<256x728xf32, #tpu.memory_space<vmem_shared>>
    tpu.wait_indirect_dma semaphore(%arg11 : memref<!tpu.dma_semaphore, #tpu.memory_space<semaphore_mem>>) src(%dma_wait3A_437 : memref<256x728xf32, #tpu.memory_space<vmem_shared>>) dst(%arg7 : memref<32x728xf32, #tpu.memory_space<vmem>>)
    %multiple_of3A_438 = arith.constant 256 : i32
    %multiple_of3A_439 = tpu.assume_multiple %multiple_of3A_438, 32 : i32
    %add3A_440 = arith.addi %multiple_of3A, %multiple_of3A_439 : i32
    %dma_start3A_441 = arith.constant 0 : i32
    %dma_start3A_442 = tpu.memref_slice %arg4[%add3A_440, %dma_start3A_441] : memref<16384x728xf32, #tpu.memory_space<hbm>> -> memref<32x728xf32, #tpu.memory_space<hbm>>
    %dma_start3A_443 = arith.constant 0 : i32
    %dma_start3A_444 = tpu.memref_slice %arg4[%add3A_440, %dma_start3A_443] : memref<16384x728xf32, #tpu.memory_space<hbm>> -> memref<32x728xf32, #tpu.memory_space<hbm>>
    tpu.enqueue_dma source(%arg7 : memref<32x728xf32, #tpu.memory_space<vmem>>) target(%dma_start3A_444 : memref<32x728xf32, #tpu.memory_space<hbm>>) target_semaphore(%arg15 : memref<!tpu.dma_semaphore, #tpu.memory_space<semaphore_mem>>)
    %multiple_of3A_445 = arith.constant 256 : i32
    %multiple_of3A_446 = tpu.assume_multiple %multiple_of3A_445, 32 : i32
    %add3A_447 = arith.addi %multiple_of3A, %multiple_of3A_446 : i32
    %dma_wait3A_448 = arith.constant 0 : i32
    %dma_wait3A_449 = tpu.memref_slice %arg4[%add3A_447, %dma_wait3A_448] : memref<16384x728xf32, #tpu.memory_space<hbm>> -> memref<32x728xf32, #tpu.memory_space<hbm>>
    %dma_wait3A_450 = arith.constant 0 : i32
    %dma_wait3A_451 = tpu.memref_slice %arg4[%add3A_447, %dma_wait3A_450] : memref<16384x728xf32, #tpu.memory_space<hbm>> -> memref<32x728xf32, #tpu.memory_space<hbm>>
    tpu.wait_dma2 semaphore(%arg15 : memref<!tpu.dma_semaphore, #tpu.memory_space<semaphore_mem>>) src(%arg7 : memref<32x728xf32, #tpu.memory_space<vmem>>) dst(%dma_wait3A_451 : memref<32x728xf32, #tpu.memory_space<hbm>>)
    %multiple_of3A_452 = arith.constant 384 : i32
    %multiple_of3A_453 = tpu.assume_multiple %multiple_of3A_452, 32 : i32
    %dma_start3A_454 = tpu.memref_slice %arg5[%multiple_of3A_453] : memref<512xi32, #tpu.memory_space<vmem>> -> memref<32xi32, #tpu.memory_space<vmem>>
    %dma_start3A_455 = arith.constant 0 : i32
    %dma_start3A_456 = arith.constant 0 : i32
    %dma_start3A_457 = tpu.memref_slice %arg6[%dma_start3A_455, %dma_start3A_456] : memref<256x728xf32, #tpu.memory_space<vmem_shared>> -> memref<256x728xf32, #tpu.memory_space<vmem_shared>>
    tpu.enqueue_indirect_dma source(%dma_start3A_457 : memref<256x728xf32, #tpu.memory_space<vmem_shared>>) target(%arg7 : memref<32x728xf32, #tpu.memory_space<vmem>>) offsets(%dma_start3A_454 : memref<32xi32, #tpu.memory_space<vmem>>) semaphore(%arg11 : memref<!tpu.dma_semaphore, #tpu.memory_space<semaphore_mem>>)
    %multiple_of3A_458 = arith.constant 288 : i32
    %multiple_of3A_459 = tpu.assume_multiple %multiple_of3A_458, 32 : i32
    %dma_wait3A_460 = tpu.memref_slice %arg5[%multiple_of3A_459] : memref<512xi32, #tpu.memory_space<vmem>> -> memref<32xi32, #tpu.memory_space<vmem>>
    %dma_wait3A_461 = arith.constant 0 : i32
    %dma_wait3A_462 = arith.constant 0 : i32
    %dma_wait3A_463 = tpu.memref_slice %arg6[%dma_wait3A_461, %dma_wait3A_462] : memref<256x728xf32, #tpu.memory_space<vmem_shared>> -> memref<256x728xf32, #tpu.memory_space<vmem_shared>>
    tpu.wait_indirect_dma semaphore(%arg12 : memref<!tpu.dma_semaphore, #tpu.memory_space<semaphore_mem>>) src(%dma_wait3A_463 : memref<256x728xf32, #tpu.memory_space<vmem_shared>>) dst(%arg8 : memref<32x728xf32, #tpu.memory_space<vmem>>)
    %multiple_of3A_464 = arith.constant 288 : i32
    %multiple_of3A_465 = tpu.assume_multiple %multiple_of3A_464, 32 : i32
    %add3A_466 = arith.addi %multiple_of3A, %multiple_of3A_465 : i32
    %dma_start3A_467 = arith.constant 0 : i32
    %dma_start3A_468 = tpu.memref_slice %arg4[%add3A_466, %dma_start3A_467] : memref<16384x728xf32, #tpu.memory_space<hbm>> -> memref<32x728xf32, #tpu.memory_space<hbm>>
    %dma_start3A_469 = arith.constant 0 : i32
    %dma_start3A_470 = tpu.memref_slice %arg4[%add3A_466, %dma_start3A_469] : memref<16384x728xf32, #tpu.memory_space<hbm>> -> memref<32x728xf32, #tpu.memory_space<hbm>>
    tpu.enqueue_dma source(%arg8 : memref<32x728xf32, #tpu.memory_space<vmem>>) target(%dma_start3A_470 : memref<32x728xf32, #tpu.memory_space<hbm>>) target_semaphore(%arg16 : memref<!tpu.dma_semaphore, #tpu.memory_space<semaphore_mem>>)
    %multiple_of3A_471 = arith.constant 288 : i32
    %multiple_of3A_472 = tpu.assume_multiple %multiple_of3A_471, 32 : i32
    %add3A_473 = arith.addi %multiple_of3A, %multiple_of3A_472 : i32
    %dma_wait3A_474 = arith.constant 0 : i32
    %dma_wait3A_475 = tpu.memref_slice %arg4[%add3A_473, %dma_wait3A_474] : memref<16384x728xf32, #tpu.memory_space<hbm>> -> memref<32x728xf32, #tpu.memory_space<hbm>>
    %dma_wait3A_476 = arith.constant 0 : i32
    %dma_wait3A_477 = tpu.memref_slice %arg4[%add3A_473, %dma_wait3A_476] : memref<16384x728xf32, #tpu.memory_space<hbm>> -> memref<32x728xf32, #tpu.memory_space<hbm>>
    tpu.wait_dma2 semaphore(%arg16 : memref<!tpu.dma_semaphore, #tpu.memory_space<semaphore_mem>>) src(%arg8 : memref<32x728xf32, #tpu.memory_space<vmem>>) dst(%dma_wait3A_477 : memref<32x728xf32, #tpu.memory_space<hbm>>)
    %multiple_of3A_478 = arith.constant 416 : i32
    %multiple_of3A_479 = tpu.assume_multiple %multiple_of3A_478, 32 : i32
    %dma_start3A_480 = tpu.memref_slice %arg5[%multiple_of3A_479] : memref<512xi32, #tpu.memory_space<vmem>> -> memref<32xi32, #tpu.memory_space<vmem>>
    %dma_start3A_481 = arith.constant 0 : i32
    %dma_start3A_482 = arith.constant 0 : i32
    %dma_start3A_483 = tpu.memref_slice %arg6[%dma_start3A_481, %dma_start3A_482] : memref<256x728xf32, #tpu.memory_space<vmem_shared>> -> memref<256x728xf32, #tpu.memory_space<vmem_shared>>
    tpu.enqueue_indirect_dma source(%dma_start3A_483 : memref<256x728xf32, #tpu.memory_space<vmem_shared>>) target(%arg8 : memref<32x728xf32, #tpu.memory_space<vmem>>) offsets(%dma_start3A_480 : memref<32xi32, #tpu.memory_space<vmem>>) semaphore(%arg12 : memref<!tpu.dma_semaphore, #tpu.memory_space<semaphore_mem>>)
    %multiple_of3A_484 = arith.constant 320 : i32
    %multiple_of3A_485 = tpu.assume_multiple %multiple_of3A_484, 32 : i32
    %dma_wait3A_486 = tpu.memref_slice %arg5[%multiple_of3A_485] : memref<512xi32, #tpu.memory_space<vmem>> -> memref<32xi32, #tpu.memory_space<vmem>>
    %dma_wait3A_487 = arith.constant 0 : i32
    %dma_wait3A_488 = arith.constant 0 : i32
    %dma_wait3A_489 = tpu.memref_slice %arg6[%dma_wait3A_487, %dma_wait3A_488] : memref<256x728xf32, #tpu.memory_space<vmem_shared>> -> memref<256x728xf32, #tpu.memory_space<vmem_shared>>
    tpu.wait_indirect_dma semaphore(%arg13 : memref<!tpu.dma_semaphore, #tpu.memory_space<semaphore_mem>>) src(%dma_wait3A_489 : memref<256x728xf32, #tpu.memory_space<vmem_shared>>) dst(%arg9 : memref<32x728xf32, #tpu.memory_space<vmem>>)
    %multiple_of3A_490 = arith.constant 320 : i32
    %multiple_of3A_491 = tpu.assume_multiple %multiple_of3A_490, 32 : i32
    %add3A_492 = arith.addi %multiple_of3A, %multiple_of3A_491 : i32
    %dma_start3A_493 = arith.constant 0 : i32
    %dma_start3A_494 = tpu.memref_slice %arg4[%add3A_492, %dma_start3A_493] : memref<16384x728xf32, #tpu.memory_space<hbm>> -> memref<32x728xf32, #tpu.memory_space<hbm>>
    %dma_start3A_495 = arith.constant 0 : i32
    %dma_start3A_496 = tpu.memref_slice %arg4[%add3A_492, %dma_start3A_495] : memref<16384x728xf32, #tpu.memory_space<hbm>> -> memref<32x728xf32, #tpu.memory_space<hbm>>
    tpu.enqueue_dma source(%arg9 : memref<32x728xf32, #tpu.memory_space<vmem>>) target(%dma_start3A_496 : memref<32x728xf32, #tpu.memory_space<hbm>>) target_semaphore(%arg17 : memref<!tpu.dma_semaphore, #tpu.memory_space<semaphore_mem>>)
    %multiple_of3A_497 = arith.constant 320 : i32
    %multiple_of3A_498 = tpu.assume_multiple %multiple_of3A_497, 32 : i32
    %add3A_499 = arith.addi %multiple_of3A, %multiple_of3A_498 : i32
    %dma_wait3A_500 = arith.constant 0 : i32
    %dma_wait3A_501 = tpu.memref_slice %arg4[%add3A_499, %dma_wait3A_500] : memref<16384x728xf32, #tpu.memory_space<hbm>> -> memref<32x728xf32, #tpu.memory_space<hbm>>
    %dma_wait3A_502 = arith.constant 0 : i32
    %dma_wait3A_503 = tpu.memref_slice %arg4[%add3A_499, %dma_wait3A_502] : memref<16384x728xf32, #tpu.memory_space<hbm>> -> memref<32x728xf32, #tpu.memory_space<hbm>>
    tpu.wait_dma2 semaphore(%arg17 : memref<!tpu.dma_semaphore, #tpu.memory_space<semaphore_mem>>) src(%arg9 : memref<32x728xf32, #tpu.memory_space<vmem>>) dst(%dma_wait3A_503 : memref<32x728xf32, #tpu.memory_space<hbm>>)
    %multiple_of3A_504 = arith.constant 448 : i32
    %multiple_of3A_505 = tpu.assume_multiple %multiple_of3A_504, 32 : i32
    %dma_start3A_506 = tpu.memref_slice %arg5[%multiple_of3A_505] : memref<512xi32, #tpu.memory_space<vmem>> -> memref<32xi32, #tpu.memory_space<vmem>>
    %dma_start3A_507 = arith.constant 0 : i32
    %dma_start3A_508 = arith.constant 0 : i32
    %dma_start3A_509 = tpu.memref_slice %arg6[%dma_start3A_507, %dma_start3A_508] : memref<256x728xf32, #tpu.memory_space<vmem_shared>> -> memref<256x728xf32, #tpu.memory_space<vmem_shared>>
    tpu.enqueue_indirect_dma source(%dma_start3A_509 : memref<256x728xf32, #tpu.memory_space<vmem_shared>>) target(%arg9 : memref<32x728xf32, #tpu.memory_space<vmem>>) offsets(%dma_start3A_506 : memref<32xi32, #tpu.memory_space<vmem>>) semaphore(%arg13 : memref<!tpu.dma_semaphore, #tpu.memory_space<semaphore_mem>>)
    %multiple_of3A_510 = arith.constant 352 : i32
    %multiple_of3A_511 = tpu.assume_multiple %multiple_of3A_510, 32 : i32
    %dma_wait3A_512 = tpu.memref_slice %arg5[%multiple_of3A_511] : memref<512xi32, #tpu.memory_space<vmem>> -> memref<32xi32, #tpu.memory_space<vmem>>
    %dma_wait3A_513 = arith.constant 0 : i32
    %dma_wait3A_514 = arith.constant 0 : i32
    %dma_wait3A_515 = tpu.memref_slice %arg6[%dma_wait3A_513, %dma_wait3A_514] : memref<256x728xf32, #tpu.memory_space<vmem_shared>> -> memref<256x728xf32, #tpu.memory_space<vmem_shared>>
    tpu.wait_indirect_dma semaphore(%arg14 : memref<!tpu.dma_semaphore, #tpu.memory_space<semaphore_mem>>) src(%dma_wait3A_515 : memref<256x728xf32, #tpu.memory_space<vmem_shared>>) dst(%arg10 : memref<32x728xf32, #tpu.memory_space<vmem>>)
    %multiple_of3A_516 = arith.constant 352 : i32
    %multiple_of3A_517 = tpu.assume_multiple %multiple_of3A_516, 32 : i32
    %add3A_518 = arith.addi %multiple_of3A, %multiple_of3A_517 : i32
    %dma_start3A_519 = arith.constant 0 : i32
    %dma_start3A_520 = tpu.memref_slice %arg4[%add3A_518, %dma_start3A_519] : memref<16384x728xf32, #tpu.memory_space<hbm>> -> memref<32x728xf32, #tpu.memory_space<hbm>>
    %dma_start3A_521 = arith.constant 0 : i32
    %dma_start3A_522 = tpu.memref_slice %arg4[%add3A_518, %dma_start3A_521] : memref<16384x728xf32, #tpu.memory_space<hbm>> -> memref<32x728xf32, #tpu.memory_space<hbm>>
    tpu.enqueue_dma source(%arg10 : memref<32x728xf32, #tpu.memory_space<vmem>>) target(%dma_start3A_522 : memref<32x728xf32, #tpu.memory_space<hbm>>) target_semaphore(%arg18 : memref<!tpu.dma_semaphore, #tpu.memory_space<semaphore_mem>>)
    %multiple_of3A_523 = arith.constant 352 : i32
    %multiple_of3A_524 = tpu.assume_multiple %multiple_of3A_523, 32 : i32
    %add3A_525 = arith.addi %multiple_of3A, %multiple_of3A_524 : i32
    %dma_wait3A_526 = arith.constant 0 : i32
    %dma_wait3A_527 = tpu.memref_slice %arg4[%add3A_525, %dma_wait3A_526] : memref<16384x728xf32, #tpu.memory_space<hbm>> -> memref<32x728xf32, #tpu.memory_space<hbm>>
    %dma_wait3A_528 = arith.constant 0 : i32
    %dma_wait3A_529 = tpu.memref_slice %arg4[%add3A_525, %dma_wait3A_528] : memref<16384x728xf32, #tpu.memory_space<hbm>> -> memref<32x728xf32, #tpu.memory_space<hbm>>
    tpu.wait_dma2 semaphore(%arg18 : memref<!tpu.dma_semaphore, #tpu.memory_space<semaphore_mem>>) src(%arg10 : memref<32x728xf32, #tpu.memory_space<vmem>>) dst(%dma_wait3A_529 : memref<32x728xf32, #tpu.memory_space<hbm>>)
    %multiple_of3A_530 = arith.constant 480 : i32
    %multiple_of3A_531 = tpu.assume_multiple %multiple_of3A_530, 32 : i32
    %dma_start3A_532 = tpu.memref_slice %arg5[%multiple_of3A_531] : memref<512xi32, #tpu.memory_space<vmem>> -> memref<32xi32, #tpu.memory_space<vmem>>
    %dma_start3A_533 = arith.constant 0 : i32
    %dma_start3A_534 = arith.constant 0 : i32
    %dma_start3A_535 = tpu.memref_slice %arg6[%dma_start3A_533, %dma_start3A_534] : memref<256x728xf32, #tpu.memory_space<vmem_shared>> -> memref<256x728xf32, #tpu.memory_space<vmem_shared>>
    tpu.enqueue_indirect_dma source(%dma_start3A_535 : memref<256x728xf32, #tpu.memory_space<vmem_shared>>) target(%arg10 : memref<32x728xf32, #tpu.memory_space<vmem>>) offsets(%dma_start3A_532 : memref<32xi32, #tpu.memory_space<vmem>>) semaphore(%arg14 : memref<!tpu.dma_semaphore, #tpu.memory_space<semaphore_mem>>)
    %multiple_of3A_536 = arith.constant 384 : i32
    %multiple_of3A_537 = tpu.assume_multiple %multiple_of3A_536, 32 : i32
    %dma_wait3A_538 = tpu.memref_slice %arg5[%multiple_of3A_537] : memref<512xi32, #tpu.memory_space<vmem>> -> memref<32xi32, #tpu.memory_space<vmem>>
    %dma_wait3A_539 = arith.constant 0 : i32
    %dma_wait3A_540 = arith.constant 0 : i32
    %dma_wait3A_541 = tpu.memref_slice %arg6[%dma_wait3A_539, %dma_wait3A_540] : memref<256x728xf32, #tpu.memory_space<vmem_shared>> -> memref<256x728xf32, #tpu.memory_space<vmem_shared>>
    tpu.wait_indirect_dma semaphore(%arg11 : memref<!tpu.dma_semaphore, #tpu.memory_space<semaphore_mem>>) src(%dma_wait3A_541 : memref<256x728xf32, #tpu.memory_space<vmem_shared>>) dst(%arg7 : memref<32x728xf32, #tpu.memory_space<vmem>>)
    %multiple_of3A_542 = arith.constant 384 : i32
    %multiple_of3A_543 = tpu.assume_multiple %multiple_of3A_542, 32 : i32
    %add3A_544 = arith.addi %multiple_of3A, %multiple_of3A_543 : i32
    %dma_start3A_545 = arith.constant 0 : i32
    %dma_start3A_546 = tpu.memref_slice %arg4[%add3A_544, %dma_start3A_545] : memref<16384x728xf32, #tpu.memory_space<hbm>> -> memref<32x728xf32, #tpu.memory_space<hbm>>
    %dma_start3A_547 = arith.constant 0 : i32
    %dma_start3A_548 = tpu.memref_slice %arg4[%add3A_544, %dma_start3A_547] : memref<16384x728xf32, #tpu.memory_space<hbm>> -> memref<32x728xf32, #tpu.memory_space<hbm>>
    tpu.enqueue_dma source(%arg7 : memref<32x728xf32, #tpu.memory_space<vmem>>) target(%dma_start3A_548 : memref<32x728xf32, #tpu.memory_space<hbm>>) target_semaphore(%arg15 : memref<!tpu.dma_semaphore, #tpu.memory_space<semaphore_mem>>)
    %multiple_of3A_549 = arith.constant 416 : i32
    %multiple_of3A_550 = tpu.assume_multiple %multiple_of3A_549, 32 : i32
    %dma_wait3A_551 = tpu.memref_slice %arg5[%multiple_of3A_550] : memref<512xi32, #tpu.memory_space<vmem>> -> memref<32xi32, #tpu.memory_space<vmem>>
    %dma_wait3A_552 = arith.constant 0 : i32
    %dma_wait3A_553 = arith.constant 0 : i32
    %dma_wait3A_554 = tpu.memref_slice %arg6[%dma_wait3A_552, %dma_wait3A_553] : memref<256x728xf32, #tpu.memory_space<vmem_shared>> -> memref<256x728xf32, #tpu.memory_space<vmem_shared>>
    tpu.wait_indirect_dma semaphore(%arg12 : memref<!tpu.dma_semaphore, #tpu.memory_space<semaphore_mem>>) src(%dma_wait3A_554 : memref<256x728xf32, #tpu.memory_space<vmem_shared>>) dst(%arg8 : memref<32x728xf32, #tpu.memory_space<vmem>>)
    %multiple_of3A_555 = arith.constant 416 : i32
    %multiple_of3A_556 = tpu.assume_multiple %multiple_of3A_555, 32 : i32
    %add3A_557 = arith.addi %multiple_of3A, %multiple_of3A_556 : i32
    %dma_start3A_558 = arith.constant 0 : i32
    %dma_start3A_559 = tpu.memref_slice %arg4[%add3A_557, %dma_start3A_558] : memref<16384x728xf32, #tpu.memory_space<hbm>> -> memref<32x728xf32, #tpu.memory_space<hbm>>
    %dma_start3A_560 = arith.constant 0 : i32
    %dma_start3A_561 = tpu.memref_slice %arg4[%add3A_557, %dma_start3A_560] : memref<16384x728xf32, #tpu.memory_space<hbm>> -> memref<32x728xf32, #tpu.memory_space<hbm>>
    tpu.enqueue_dma source(%arg8 : memref<32x728xf32, #tpu.memory_space<vmem>>) target(%dma_start3A_561 : memref<32x728xf32, #tpu.memory_space<hbm>>) target_semaphore(%arg16 : memref<!tpu.dma_semaphore, #tpu.memory_space<semaphore_mem>>)
    %multiple_of3A_562 = arith.constant 448 : i32
    %multiple_of3A_563 = tpu.assume_multiple %multiple_of3A_562, 32 : i32
    %dma_wait3A_564 = tpu.memref_slice %arg5[%multiple_of3A_563] : memref<512xi32, #tpu.memory_space<vmem>> -> memref<32xi32, #tpu.memory_space<vmem>>
    %dma_wait3A_565 = arith.constant 0 : i32
    %dma_wait3A_566 = arith.constant 0 : i32
    %dma_wait3A_567 = tpu.memref_slice %arg6[%dma_wait3A_565, %dma_wait3A_566] : memref<256x728xf32, #tpu.memory_space<vmem_shared>> -> memref<256x728xf32, #tpu.memory_space<vmem_shared>>
    tpu.wait_indirect_dma semaphore(%arg13 : memref<!tpu.dma_semaphore, #tpu.memory_space<semaphore_mem>>) src(%dma_wait3A_567 : memref<256x728xf32, #tpu.memory_space<vmem_shared>>) dst(%arg9 : memref<32x728xf32, #tpu.memory_space<vmem>>)
    %multiple_of3A_568 = arith.constant 448 : i32
    %multiple_of3A_569 = tpu.assume_multiple %multiple_of3A_568, 32 : i32
    %add3A_570 = arith.addi %multiple_of3A, %multiple_of3A_569 : i32
    %dma_start3A_571 = arith.constant 0 : i32
    %dma_start3A_572 = tpu.memref_slice %arg4[%add3A_570, %dma_start3A_571] : memref<16384x728xf32, #tpu.memory_space<hbm>> -> memref<32x728xf32, #tpu.memory_space<hbm>>
    %dma_start3A_573 = arith.constant 0 : i32
    %dma_start3A_574 = tpu.memref_slice %arg4[%add3A_570, %dma_start3A_573] : memref<16384x728xf32, #tpu.memory_space<hbm>> -> memref<32x728xf32, #tpu.memory_space<hbm>>
    tpu.enqueue_dma source(%arg9 : memref<32x728xf32, #tpu.memory_space<vmem>>) target(%dma_start3A_574 : memref<32x728xf32, #tpu.memory_space<hbm>>) target_semaphore(%arg17 : memref<!tpu.dma_semaphore, #tpu.memory_space<semaphore_mem>>)
    %multiple_of3A_575 = arith.constant 480 : i32
    %multiple_of3A_576 = tpu.assume_multiple %multiple_of3A_575, 32 : i32
    %dma_wait3A_577 = tpu.memref_slice %arg5[%multiple_of3A_576] : memref<512xi32, #tpu.memory_space<vmem>> -> memref<32xi32, #tpu.memory_space<vmem>>
    %dma_wait3A_578 = arith.constant 0 : i32
    %dma_wait3A_579 = arith.constant 0 : i32
    %dma_wait3A_580 = tpu.memref_slice %arg6[%dma_wait3A_578, %dma_wait3A_579] : memref<256x728xf32, #tpu.memory_space<vmem_shared>> -> memref<256x728xf32, #tpu.memory_space<vmem_shared>>
    tpu.wait_indirect_dma semaphore(%arg14 : memref<!tpu.dma_semaphore, #tpu.memory_space<semaphore_mem>>) src(%dma_wait3A_580 : memref<256x728xf32, #tpu.memory_space<vmem_shared>>) dst(%arg10 : memref<32x728xf32, #tpu.memory_space<vmem>>)
    %multiple_of3A_581 = arith.constant 480 : i32
    %multiple_of3A_582 = tpu.assume_multiple %multiple_of3A_581, 32 : i32
    %add3A_583 = arith.addi %multiple_of3A, %multiple_of3A_582 : i32
    %dma_start3A_584 = arith.constant 0 : i32
    %dma_start3A_585 = tpu.memref_slice %arg4[%add3A_583, %dma_start3A_584] : memref<16384x728xf32, #tpu.memory_space<hbm>> -> memref<32x728xf32, #tpu.memory_space<hbm>>
    %dma_start3A_586 = arith.constant 0 : i32
    %dma_start3A_587 = tpu.memref_slice %arg4[%add3A_583, %dma_start3A_586] : memref<16384x728xf32, #tpu.memory_space<hbm>> -> memref<32x728xf32, #tpu.memory_space<hbm>>
    tpu.enqueue_dma source(%arg10 : memref<32x728xf32, #tpu.memory_space<vmem>>) target(%dma_start3A_587 : memref<32x728xf32, #tpu.memory_space<hbm>>) target_semaphore(%arg18 : memref<!tpu.dma_semaphore, #tpu.memory_space<semaphore_mem>>)
    %multiple_of3A_588 = arith.constant 384 : i32
    %multiple_of3A_589 = tpu.assume_multiple %multiple_of3A_588, 32 : i32
    %add3A_590 = arith.addi %multiple_of3A, %multiple_of3A_589 : i32
    %dma_wait3A_591 = arith.constant 0 : i32
    %dma_wait3A_592 = tpu.memref_slice %arg4[%add3A_590, %dma_wait3A_591] : memref<16384x728xf32, #tpu.memory_space<hbm>> -> memref<32x728xf32, #tpu.memory_space<hbm>>
    %dma_wait3A_593 = arith.constant 0 : i32
    %dma_wait3A_594 = tpu.memref_slice %arg4[%add3A_590, %dma_wait3A_593] : memref<16384x728xf32, #tpu.memory_space<hbm>> -> memref<32x728xf32, #tpu.memory_space<hbm>>
    tpu.wait_dma2 semaphore(%arg15 : memref<!tpu.dma_semaphore, #tpu.memory_space<semaphore_mem>>) src(%arg7 : memref<32x728xf32, #tpu.memory_space<vmem>>) dst(%dma_wait3A_594 : memref<32x728xf32, #tpu.memory_space<hbm>>)
    %multiple_of3A_595 = arith.constant 416 : i32
    %multiple_of3A_596 = tpu.assume_multiple %multiple_of3A_595, 32 : i32
    %add3A_597 = arith.addi %multiple_of3A, %multiple_of3A_596 : i32
    %dma_wait3A_598 = arith.constant 0 : i32
    %dma_wait3A_599 = tpu.memref_slice %arg4[%add3A_597, %dma_wait3A_598] : memref<16384x728xf32, #tpu.memory_space<hbm>> -> memref<32x728xf32, #tpu.memory_space<hbm>>
    %dma_wait3A_600 = arith.constant 0 : i32
    %dma_wait3A_601 = tpu.memref_slice %arg4[%add3A_597, %dma_wait3A_600] : memref<16384x728xf32, #tpu.memory_space<hbm>> -> memref<32x728xf32, #tpu.memory_space<hbm>>
    tpu.wait_dma2 semaphore(%arg16 : memref<!tpu.dma_semaphore, #tpu.memory_space<semaphore_mem>>) src(%arg8 : memref<32x728xf32, #tpu.memory_space<vmem>>) dst(%dma_wait3A_601 : memref<32x728xf32, #tpu.memory_space<hbm>>)
    %multiple_of3A_602 = arith.constant 448 : i32
    %multiple_of3A_603 = tpu.assume_multiple %multiple_of3A_602, 32 : i32
    %add3A_604 = arith.addi %multiple_of3A, %multiple_of3A_603 : i32
    %dma_wait3A_605 = arith.constant 0 : i32
    %dma_wait3A_606 = tpu.memref_slice %arg4[%add3A_604, %dma_wait3A_605] : memref<16384x728xf32, #tpu.memory_space<hbm>> -> memref<32x728xf32, #tpu.memory_space<hbm>>
    %dma_wait3A_607 = arith.constant 0 : i32
    %dma_wait3A_608 = tpu.memref_slice %arg4[%add3A_604, %dma_wait3A_607] : memref<16384x728xf32, #tpu.memory_space<hbm>> -> memref<32x728xf32, #tpu.memory_space<hbm>>
    tpu.wait_dma2 semaphore(%arg17 : memref<!tpu.dma_semaphore, #tpu.memory_space<semaphore_mem>>) src(%arg9 : memref<32x728xf32, #tpu.memory_space<vmem>>) dst(%dma_wait3A_608 : memref<32x728xf32, #tpu.memory_space<hbm>>)
    %multiple_of3A_609 = arith.constant 480 : i32
    %multiple_of3A_610 = tpu.assume_multiple %multiple_of3A_609, 32 : i32
    %add3A_611 = arith.addi %multiple_of3A, %multiple_of3A_610 : i32
    %dma_wait3A_612 = arith.constant 0 : i32
    %dma_wait3A_613 = tpu.memref_slice %arg4[%add3A_611, %dma_wait3A_612] : memref<16384x728xf32, #tpu.memory_space<hbm>> -> memref<32x728xf32, #tpu.memory_space<hbm>>
    %dma_wait3A_614 = arith.constant 0 : i32
    %dma_wait3A_615 = tpu.memref_slice %arg4[%add3A_611, %dma_wait3A_614] : memref<16384x728xf32, #tpu.memory_space<hbm>> -> memref<32x728xf32, #tpu.memory_space<hbm>>
    tpu.wait_dma2 semaphore(%arg18 : memref<!tpu.dma_semaphore, #tpu.memory_space<semaphore_mem>>) src(%arg10 : memref<32x728xf32, #tpu.memory_space<vmem>>) dst(%dma_wait3A_615 : memref<32x728xf32, #tpu.memory_space<hbm>>)
    return
  }
}

</mosaic_0001>

<sc_bundles>
// kernel: kernel.3.cloned.1.call-start
scs
__scs_entry_jumppad:
0x0: {  	(pc) =	sbr.rel $0x88, $3  }
0x1: {  	(tag) =	ssettag $0x0;
	lr =	simm.s32 $0x1  }
0x2: {  	[smem:$0x3F9F] =	sst lr;
	_ =	strace $0xD0000000  }
0x3: {  	_ = 	snop  }
0x4: {  	_ = 	snop  }
0x5: {  	_ = 	snop  }
0x6: {  	_ = 	snop  }
0x7: {  	_ = 	snop  }
__scs_overlays_trampoline_lowered:
0x8: {  	[smem:$0x3FAE] =	sst s0  }
0x9: {  	[smem:$0x3FAF] =	sst s1  }
0xa: {  	[smem:$0x3FB0] =	sst s2  }
0xb: {  	[smem:$0x3FB1] =	sst s3  }
0xc: {  	[smem:$0x3FB2] =	sst s4  }
0xd: {  	[smem:$0x3FB3] =	sst s5  }
0xe: {  	[smem:$0x3FB4] =	sst s6  }
0xf: {  	[smem:$0x3FB5] =	sst s7  }
0x10: {  	[smem:$0x3FB6] =	sst s8  }
0x11: {  	[smem:$0x3FB7] =	sst s9;
	s0 =	simm.s32 @!p0 $0x0  }
0x12: {  	s1 =	sld [smem:$0x3F9D];
	s0 =	simm.s32 @p0 $0x1  }
0x13: {  	[smem:$0x3FB8] =	sst s0;
	s0 =	simm.s32 @!p1 $0x0  }
0x14: {  	s2 =	sld [smem:$0x3F9C];
	s0 =	simm.s32 @p1 $0x1  }
0x15: {  	[smem:$0x3FB9] =	sst s0;
	s0 =	simm.s32 @!p2 $0x0  }
0x16: {  	s3 =	sld [smem:$0x3FDB];
	s0 =	simm.s32 @p2 $0x1  }
0x17: {  	s4 =	simm.s32 $0x1BF5;
	[smem:$0x3FBB] =	sst s0  }
0x18: {  	s0 =	sld [smem:$0x3F9E];
	_ =	swait.ge [sflag:s4], $0x0  }
0x19: {  	s7 =	sld [smem:$0x3F9F]  }
0x1a: {  	s8 =	sadd.s32 $0xFFFFE003, lr  }
0x1b: {  	s9 =	sadd.s32 $0xFFFFFEF7, lr;
	s5 =	simm.s32 $0xFFFFFFFF;
	p2 =	slt.u32 s8, $0xFFFFF086  }
0x1c: {  	p1 =	slt.u32 s9, $0xF7A;
	s5 =	simm.s32 @!p2 $0x0  }
0x1d: {  	s5 =	simm.s32 @p1 $0x1;
	p0 =	seq.s32 s7, s2  }
0x1e: {  	s7 =	smul.u32 @!p0 $0xF7A, s2;
	p2 =	seq.s32 @!p0 s5, $0x0  }
0x1f: {  	s9 =	smul.u32 $0xF7A, s1;
	s8 =	simm.s32 @!p0 $0x1BF5;
	p2 =	por !p2, p0  }
0x20: {  	[sflag:s8] =	ssyncset.s32 @!p0 $0xFFFFF086;
	s6 =	sadd.s32 @!p0 s3, s7;
	s7 =	simm.s32 @!p0 $0x108  }
0x21: {  	s3 =	sadd.s32 s3, s9;
	s6 =	sadd.s32 @!p0 $0x88, s6;
	s7 =	simm.s32 @p2 $0x1082  }
0x22: {  	[simem:s7], [sflag:s8] =	dma.local @!p0 [hbm:s6], $0xF7A  }
0x23: {  	s9 =	sor.u32 $0xD0000000, s2;
	s6 =	simm.s32 $0x108;
	_ =	swait.ge @!p0 [sflag:s8], $0x0  }
0x24: {  	s3 =	sadd.s32 $0x88, s3;
	s6 =	simm.s32 @!p1 $0x1082;
	[sflag:s4] =	ssyncset.s32 $0xFFFFF086  }
0x25: {  	[simem:s6], [sflag:s4] =	dma.local [hbm:s3], $0xF7A  }
0x26: {  	[smem:$0x3F9F] =	sst s1;
	(tag) =	ssettag s2;
	_ =	strace s9  }
0x27: {  	s1 =	sld [smem:$0x3FAF]  }
0x28: {  	s2 =	sld [smem:$0x3FB0]  }
0x29: {  	s4 =	sld [smem:$0x3FB2]  }
0x2a: {  	p0 =	seq.s32 s5, $0x0;
	s5 =	sld [smem:$0x3FB3]  }
0x2b: {  	s6 =	sld [smem:$0x3FB4]  }
0x2c: {  	s7 =	sld [smem:$0x3FB5]  }
0x2d: {  	s3 =	simm.s32 $0x108;
	s8 =	sld [smem:$0x3FB6]  }
0x2e: {  	s3 =	simm.s32 @!p0 $0x1082;
	s9 =	sld [smem:$0x3FB7]  }
0x2f: {  	lr =	sadd.s32 s0, s3;
	s0 =	sld [smem:$0x3FAE]  }
0x30: {  	s3 =	sld [smem:$0x3FB1]  }
0x31: {  	[smem:$0x3FBA] =	sst s10  }
0x32: {  	s10 =	sld [smem:$0x3FB8];
	_ =	sdelay $0x3  }
0x33: {  	p0 =	seq.s32 s10, $0x1;
	s10 =	sld [smem:$0x3FBA];
	_ =	sdelay $0x3  }
0x34: {  	[smem:$0x3FBA] =	sst s10  }
0x35: {  	s10 =	sld [smem:$0x3FB9];
	_ =	sdelay $0x3  }
0x36: {  	p1 =	seq.s32 s10, $0x1;
	s10 =	sld [smem:$0x3FBA];
	_ =	sdelay $0x3  }
0x37: {  	[smem:$0x3FBA] =	sst s10  }
0x38: {  	s10 =	sld [smem:$0x3FBB]  }
0x39: {  	_ = 	snop;
	(pc) =	sbr.ind lr, $3  }
0x3a: {  	_ = 	snop  }
0x3b: {  	_ = 	snop  }
0x3c: {  	p2 =	seq.s32 s10, $0x1;
	s10 =	sld [smem:$0x3FBA]  }
0x3d: {  	_ =	shalt  }
0x3e: {  	_ =	shalt  }
0x3f: {  	_ =	shalt  }
0x40: {  	_ =	shalt  }
0x41: {  	_ =	shalt  }
0x42: {  	_ =	shalt  }
0x43: {  	_ =	shalt  }
0x44: {  	_ =	shalt  }
0x45: {  	_ =	shalt  }
0x46: {  	_ =	shalt  }
0x47: {  	_ =	shalt  }
0x48: {  	_ =	shalt  }
0x49: {  	_ =	shalt  }
0x4a: {  	_ =	shalt  }
0x4b: {  	_ =	shalt  }
0x4c: {  	_ =	shalt  }
0x4d: {  	_ =	shalt  }
0x4e: {  	_ =	shalt  }
0x4f: {  	_ =	shalt  }
0x50: {  	_ =	shalt  }
0x51: {  	_ =	shalt  }
0x52: {  	_ =	shalt  }
0x53: {  	_ =	shalt  }
0x54: {  	_ =	shalt  }
0x55: {  	_ =	shalt  }
0x56: {  	_ =	shalt  }
0x57: {  	_ =	shalt  }
0x58: {  	_ =	shalt  }
0x59: {  	_ =	shalt  }
0x5a: {  	_ =	shalt  }
0x5b: {  	_ =	shalt  }
0x5c: {  	_ =	shalt  }
0x5d: {  	_ =	shalt  }
0x5e: {  	_ =	shalt  }
0x5f: {  	_ =	shalt  }
0x60: {  	_ =	shalt  }
0x61: {  	_ =	shalt  }
0x62: {  	_ =	shalt  }
0x63: {  	_ =	shalt  }
0x64: {  	_ =	shalt  }
0x65: {  	_ =	shalt  }
0x66: {  	_ =	shalt  }
0x67: {  	_ =	shalt  }
0x68: {  	_ =	shalt  }
0x69: {  	_ =	shalt  }
0x6a: {  	_ =	shalt  }
0x6b: {  	_ =	shalt  }
0x6c: {  	_ =	shalt  }
0x6d: {  	_ =	shalt  }
0x6e: {  	_ =	shalt  }
0x6f: {  	_ =	shalt  }
0x70: {  	_ =	shalt  }
0x71: {  	_ =	shalt  }
0x72: {  	_ =	shalt  }
0x73: {  	_ =	shalt  }
0x74: {  	_ =	shalt  }
0x75: {  	_ =	shalt  }
0x76: {  	_ =	shalt  }
0x77: {  	_ =	shalt  }
0x78: {  	_ =	shalt  }
0x79: {  	_ =	shalt  }
0x7a: {  	_ =	shalt  }
0x7b: {  	_ =	shalt  }
0x7c: {  	_ =	shalt  }
0x7d: {  	_ =	shalt  }
0x7e: {  	_ =	shalt  }
0x7f: {  	_ =	shalt  }
0x80: {  	_ =	shalt  }
0x81: {  	_ =	shalt  }
0x82: {  	_ =	shalt  }
0x83: {  	_ =	shalt  }
0x84: {  	_ =	shalt  }
0x85: {  	_ =	shalt  }
0x86: {  	_ =	shalt  }
0x87: {  	_ =	shalt  }
.Lfunc_end0:
.L_simem_size_0:
called_computation.1_lowered:
.L_overlay_start_0:
0x88: {  	s2 =	sld [smem:$0x3FD9]  }
0x89: {  	s3 =	sld [smem:$0x3FFE];
	_ =	sdelay $0x1  }
0x8a: {  	s1 =	srdreg.scid  }
0x8b: {  	s0 =	sand.u32 $0x1, s1  }
0x8c: {  	s17 =	sshll.u32 s0, $0xA;
	s2 =	sadd.s32 s3, s2  }
0x8d: {  	s2 =	sadd.s32 s2, s17  }
0x8e: {  	[smem:$0x3FC6] =	sst s2  }
0x8f: {  	_ = 	snop  }
0x90: {  	s2 =	sld [smem:$0x3FD0];
	(tm) =	ssettm $0x1  }
0x91: {  	s18 =	sld [smem:$0x3FFB];
	_ =	sdelay $0x3  }
0x92: {  	_ =	strace s18  }
0x93: {  	s3 =	sld [smem:$0x3FFC];
	_ =	sdelay $0x3  }
0x94: {  	_ =	strace s3  }
0x95: {  	s3 =	sld [smem:$0x3FFD];
	_ =	sdelay $0x3  }
0x96: {  	_ =	strace s3  }
0x97: {  	_ =	strace $0x8FFFFFFF  }
0x98: {  	s19 =	sld [smem:$0x3FDB];
	_ =	sdelay $0x1  }
0x99: {  	s4 =	simm.s32 $_scs_section_size  }
0x9a: {  	s5 =	simm.s32 $_size__tile_overlayer_lowered;
	s6 =	simm.s32 $_tile_overlayer_lowered  }
0x9b: {  	s22 =	simm.s32 $0x1BFF;
	s21 =	sshll.u32 s6, $0x1;
	s3 =	sadd.s32 s4, s19  }
0x9c: {  	s7 =	simm.s32 $0x0;
	s20 =	sshll.u32 s5, $0x1;
	s5 =	sadd.s32 s21, s3  }
0x9d: {  	[timem:s7], [sflag:s22] =	dma.local [hbm:s5], s20  }
0x9e: {  	_ =	swait.ge [sflag:s22], s20  }
0x9f: {  	s4 =	ssub.s32 $0x0, s20;
	[sflag:s22] =	ssyncset.done $0x0  }
0xa0: {  	[sflag:s22] =	ssyncadd.s32 s4;
	_ =	sdelay $0x1  }
0xa1: {  	s23 =	simm.s32 $0x1B8B  }
0xa2: {  	_ =	swait.ge [sflag:s23], $0x1  }
0xa3: {  	[sflag:s23] =	ssyncset.done $0x0  }
0xa4: {  	s25 =	simm.s32 $0x1B8E;
	s24 =	sld [smem:$0x3FFE];
	[sflag:s23] =	ssyncadd.s32 $0xFFFFFFFF  }
0xa5: {  	s26 =	simm.s32 $execute0_lowered;
	[smem:$0x3FD2] =	sst s25  }
0xa6: {  	s5 =	sshll.u32 s26, $0x1;
	_ =	strace $0x80000046;
	[dreg:$0x1] =	wrdreg $0xFFFFFFFF  }
0xa7: {  	s28 =	simm.s32 $_size_execute0_lowered;
	s3 =	sadd.s32 s3, s5;
	[dreg:$0x0] =	wrdreg $0x0  }
0xa8: {  	s5 =	sshll.u32 s28, $0x1;
	[dreg:$0x2] =	wrdreg s3  }
0xa9: {  	[dreg:$0x3] =	wrdreg s5  }
0xaa: {  	[dreg:$0x4] =	wrdreg $0xC0  }
0xab: {  	_ =	task [dreg:s7], $0x5FFFF  }
0xac: {  	[dreg:$0x1] =	wrdreg $0xFFFFFFFF  }
0xad: {  	[dreg:$0x0] =	wrdreg $0x60  }
0xae: {  	[dreg:$0x2] =	wrdreg s24  }
0xaf: {  	[dreg:$0x3] =	wrdreg s2  }
0xb0: {  	[dreg:$0x4] =	wrdreg $0x2000  }
0xb1: {  	[dreg:$0x5] =	wrdreg $0x9  }
0xb2: {  	_ =	task.clear_ibuf [dreg:s7], $0x6FFFF;
	_ =	strace $0x90000046  }
0xb3: {  	s29 =	simm.s32 $0x9;
	_ =	strace $0x80000048  }
0xb4: {  	_ =	swait.ge [sflag:s29], $0x1  }
0xb5: {  	[sflag:s29] =	ssyncadd.s32 $0xFFFFFFFF  }
0xb6: {  	_ =	strace $0x90000048  }
0xb7: {  	_ =	sfence  }
0xb8: {  	s30 =	sld [smem:$0x0];
	_ =	sdelay $0x2  }
0xb9: {  	s31 =	sshll.u32 s1, $0xD;
	s1 =	sshrl.u32 s1, $0x2  }
0xba: {  	s3 =	sand.u32 $0x4000, s31;
	s1 =	sadd.s32 s1, s30  }
0xbb: {  	s0 =	sor.u32 s3, s0;
	s1 =	sshll.u32 s1, $0x11  }
0xbc: {  	s0 =	sor.u32 s1, s0  }
0xbd: {  	s0 =	sadd.s32 $0x8F2B, s0  }
0xbe: {  	[sflag:s0] =	ssyncadd.remote.s32 $0x1  }
0xbf: {  	_ =	sfence.sel $0xFFFF  }
0xc0: {  	[dreg:$0x0] =	wrdreg $0xFFFFFFFF;
	(pc) =	sbr.abs _section_cstart, $3  }
0xc1: {  	[dreg:$0x1] =	wrdreg $0xFFFFFFFF  }
0xc2: {  	_ =	task.clear_ibuf [dreg:s7], $0x2FFFF;
	_ =	strace $0x9FFFFFFF  }
0xc3: {  	(tm) =	ssettm $0x7FFFFFFF  }
tec
execute0_lowered:
.L_overlay_start_1:
0x0: {  	(tag) =	ssettag $0x1  }
0x1: {  	s4 =	rddreg [dreg:$0x0]  }
0x2: {  	s1 =	srdreg.scid;
	s5 =	rddreg [dreg:$0x1]  }
0x3: {  	s0 =	stileid.u32;
	s3 =	rddreg [dreg:$0x2]  }
0x4: {  	s2 =	simm.s32 $0x0;
	s1 =	sand.u32 $0x1, s1;
	s6 =	sshll.u32 s0, $0xA  }
0x5: {  	[smem:$0x7FF] =	sst s2;
	s8 =	sshll.u32 s0, $0x6;
	s7 =	sshll.u32 s1, $0x9  }
0x6: {  	_ =	strace $0x80000047;
	s19 =	sor.u32 $0x1C01, s8;
	s6 =	sor.u32 s7, s6  }
0x7: {  	[dreg:$0x5] =	wrdreg s19;
	s7 =	sshrl.u32 s6, $0x3;
	s9 =	smul.u32 $0x2D8, s6  }
0x8: {  	s6 =	smul.u32 $0x5B, s6;
	s7 =	sadd.s32 s7, s4;
	s4 =	sadd.s32 $0x800, s4  }
0x9: {  	[dreg:$0x4] =	wrdreg s4;
	s20 =	sadd.s32 $0xC00, s7  }
0xa: {  	s22 =	sadd.s32 s5, s6;
	[dreg:$0x6] =	wrdreg s20  }
0xb: {  	[dreg:$0x7] =	wrdreg s22  }
0xc: {  	s21 =	sshrl.u32 s9, $0x3;
	s18 =	rddreg [dreg:$0x4]  }
0xd: {  	s5 =	sadd.s32 s5, s21;
	s20 =	rddreg [dreg:$0x5];
	s21 =	simm.s32 $0x40  }
0xe: {  	s23 =	sadd.s32 $0xB60, s5;
	[dreg:$0x18] =	wrdreg s21  }
0xf: {  	s24 =	sadd.s32 $0x16C0, s5;
	[dreg:$0x8] =	wrdreg s23  }
0x10: {  	s25 =	sadd.s32 $0x2220, s5;
	[dreg:$0x9] =	wrdreg s24  }
0x11: {  	s26 =	sadd.s32 $0x2D80, s5;
	[dreg:$0xa] =	wrdreg s25  }
0x12: {  	s6 =	sadd.s32 $0x38E0, s5;
	[dreg:$0xb] =	wrdreg s26  }
0x13: {  	s7 =	sadd.s32 $0x4440, s5;
	[dreg:$0xc] =	wrdreg s6  }
0x14: {  	s8 =	sadd.s32 $0x4FA0, s5;
	[dreg:$0xd] =	wrdreg s7  }
0x15: {  	s9 =	sadd.s32 $0x5B00, s5;
	[dreg:$0xe] =	wrdreg s8  }
0x16: {  	s10 =	sadd.s32 $0x6660, s5;
	[dreg:$0xf] =	wrdreg s9  }
0x17: {  	s11 =	sadd.s32 $0x71C0, s5;
	[dreg:$0x10] =	wrdreg s10  }
0x18: {  	s13 =	sadd.s32 $0x7D20, s5;
	[dreg:$0x11] =	wrdreg s11  }
0x19: {  	s12 =	smul.u32 $0xB600, s0;
	s14 =	sadd.s32 $0x8880, s5;
	[dreg:$0x12] =	wrdreg s13  }
0x1a: {  	s15 =	sadd.s32 $0x93E0, s5;
	[dreg:$0x13] =	wrdreg s14  }
0x1b: {  	s16 =	sadd.s32 $0x9F40, s5;
	s6 =	sshrl.u32 s12, $0x2;
	[dreg:$0x14] =	wrdreg s15  }
0x1c: {  	s5 =	sadd.s32 $0xAAA0, s5;
	[dreg:$0x15] =	wrdreg s16;
	s6 =	sadd.s32 s6, s3  }
0x1d: {  	[dreg:$0x16] =	wrdreg s5;
	s17 =	sshrl.u32 s6, $0x3  }
0x1e: {  	[dreg:$0x17] =	wrdreg s17  }
0x1f: {  	s19 =	rddreg [dreg:$0x17]  }
0x20: {  	[spmem:s19], [sflag:s20] =	dma.local [hbm:s18], $0x38E  }
0x21: {  	s4 =	simm.s32 $0x9;
	s22 =	rddreg [dreg:$0x6]  }
0x22: {  	[tilespmem:s2], [sflag:$0x9] =	stream.linear.gather [hbm4b:s22+s2], $0x200, $0x38;
	[tilespmem:$0x19B80] =	vst v63  }
0x23: {  	_ =	swait.ge [sflag:s4], $0x200  }
0x24: {  	[sflag:s4] =	ssyncset.done $0x0  }
0x25: {  	[sflag:s4] =	ssyncadd.s32 $0xFFFFFE00  }
0x26: {  	v1 =	vld [tilespmem:$0x1F0]  }
0x27: {  	v2 =	vld [tilespmem:$0x1C0]  }
0x28: {  	v4 =	vld [tilespmem:$0x1D0]  }
0x29: {  	s23 =	sshll.u32 s0, $0x4;
	v6 =	vld [tilespmem:$0x1B0]  }
0x2a: {  	v0 =	vmov s23;
	v7 =	vld [tilespmem:$0x1A0]  }
0x2b: {  	v3 =	vld [tilespmem:$0x1E0];
	v1 =	vadd.s32 v0, v1  }
0x2c: {  	v5 =	vld [tilespmem:$0x140];
	v2 =	vadd.s32 v0, v2;
	[tilespmem:$0x1F0] =	vst v1  }
0x2d: {  	v50 =	vld [tilespmem:$0xC0];
	v4 =	vadd.s32 v0, v4;
	[tilespmem:$0x1C0] =	vst v2  }
0x2e: {  	v54 =	vld [tilespmem:$0xE0];
	v49 =	vadd.s32 v0, v6;
	[tilespmem:$0x1D0] =	vst v4  }
0x2f: {  	v61 =	vld [tilespmem:$0x20];
	v7 =	vadd.s32 v0, v7;
	[tilespmem:$0x1B0] =	vst v49  }
0x30: {  	v1 =	vld [tilespmem:$0x190];
	v2 =	vadd.s32 v0, v3;
	[tilespmem:$0x1A0] =	vst v7  }
0x31: {  	v3 =	vld [tilespmem:$0x170];
	[tilespmem:$0x1E0] =	vst v2;
	v2 =	vadd.s32 v0, v5  }
0x32: {  	v53 =	vadd.s32 v0, v50;
	[tilespmem:$0x140] =	vst v2;
	v2 =	vld [tilespmem:$0x150]  }
0x33: {  	v51 =	vld [tilespmem:$0x130];
	v6 =	vadd.s32 v0, v54;
	[tilespmem:$0xC0] =	vst v53  }
0x34: {  	v52 =	vld [tilespmem:$0x120];
	v63 =	vadd.s32 v0, v61;
	[tilespmem:$0xE0] =	vst v6  }
0x35: {  	v58 =	vld [tilespmem:$0x70];
	[tilespmem:$0x20] =	vst v63;
	v1 =	vadd.s32 v0, v1  }
0x36: {  	v3 =	vadd.s32 v0, v3;
	[tilespmem:$0x190] =	vst v1;
	v1 =	vld [tilespmem:$0x110]  }
0x37: {  	[tilespmem:$0x170] =	vst v3;
	v3 =	vld [tilespmem:$0xF0];
	v2 =	vadd.s32 v0, v2  }
0x38: {  	v4 =	vadd.s32 v0, v51;
	[tilespmem:$0x150] =	vst v2;
	v2 =	vld [tilespmem:$0xD0]  }
0x39: {  	v48 =	vld [tilespmem:$0x160];
	v7 =	vadd.s32 v0, v52;
	[tilespmem:$0x130] =	vst v4  }
0x3a: {  	v56 =	vld [tilespmem:$0xB0];
	v6 =	vadd.s32 v0, v58;
	[tilespmem:$0x120] =	vst v7  }
0x3b: {  	v57 =	vld [tilespmem:$0xA0];
	[tilespmem:$0x70] =	vst v6;
	v1 =	vadd.s32 v0, v1  }
0x3c: {  	v3 =	vadd.s32 v0, v3;
	[tilespmem:$0x110] =	vst v1;
	v1 =	vld [tilespmem:$0x90]  }
0x3d: {  	[tilespmem:$0xF0] =	vst v3;
	v3 =	vld [tilespmem:$0x80];
	v2 =	vadd.s32 v0, v2  }
0x3e: {  	v5 =	vadd.s32 v0, v48;
	[tilespmem:$0xD0] =	vst v2;
	v2 =	vld [tilespmem:$0x60]  }
0x3f: {  	v55 =	vld [tilespmem:$0x30];
	v4 =	vadd.s32 v0, v56;
	[tilespmem:$0x160] =	vst v5  }
0x40: {  	v60 =	vld [tilespmem:$0x40];
	v7 =	vadd.s32 v0, v57;
	[tilespmem:$0xB0] =	vst v4  }
0x41: {  	v59 =	vld [tilespmem:$0x50];
	[tilespmem:$0xA0] =	vst v7;
	v1 =	vadd.s32 v0, v1  }
0x42: {  	v3 =	vadd.s32 v0, v3;
	[tilespmem:$0x90] =	vst v1;
	v1 =	vld [tilespmem:$0x180]  }
0x43: {  	[tilespmem:$0x80] =	vst v3;
	v3 =	vld [tilespmem:$0x10];
	v2 =	vadd.s32 v0, v2  }
0x44: {  	v5 =	vadd.s32 v0, v55;
	[tilespmem:$0x60] =	vst v2;
	v2 =	vld [tilespmem:$0x100]  }
0x45: {  	v62 =	vld [tilespmem:$0x0];
	v4 =	vadd.s32 v0, v60;
	[tilespmem:$0x30] =	vst v5  }
0x46: {  	v5 =	vadd.s32 v0, v59;
	[tilespmem:$0x40] =	vst v4  }
0x47: {  	[tilespmem:$0x50] =	vst v5;
	v1 =	vadd.s32 v0, v1  }
0x48: {  	[tilespmem:$0x180] =	vst v1;
	v1 =	vadd.s32 v0, v3  }
0x49: {  	[tilespmem:$0x10] =	vst v1;
	v1 =	vadd.s32 v0, v2  }
0x4a: {  	v2 =	vadd.s32 v0, v62;
	[tilespmem:$0x100] =	vst v1  }
0x4b: {  	s6 =	simm.s32 $0x1;
	[tilespmem:$0x0] =	vst v2  }
0x4c: {  	_ =	swait.ge [sflag:s6], $0x38E  }
0x4d: {  	[sflag:s6] =	ssyncset.done $0x0  }
0x4e: {  	s11 =	simm.s32 $0x20;
	s10 =	simm.s32 $0x2F80;
	[sflag:s6] =	ssyncadd.s32 $0xFFFFFC72  }
0x4f: {  	[tilespmem:s10], [sflag:$0x1] =	stream.indirect.gather [spmem:s3], $0x2D8, s2, s11, $0xb8;
	[tilespmem:$0x19B80] =	vst v63  }
0x50: {  	s9 =	simm.s32 $0x8A80  }
0x51: {  	[tilespmem:s9], [sflag:$0x2] =	stream.indirect.gather [spmem:s3], $0x2D8, s11, s11, $0xb8;
	[tilespmem:$0x19B80] =	vst v63  }
0x52: {  	s7 =	simm.s32 $0xE580;
	s24 =	rddreg [dreg:$0x18]  }
0x53: {  	[tilespmem:s7], [sflag:$0x3] =	stream.indirect.gather [spmem:s3], $0x2D8, s24, s11, $0xb8;
	[tilespmem:$0x19B80] =	vst v63  }
0x54: {  	s25 =	simm.s32 $0x60;
	s5 =	simm.s32 $0x14080  }
0x55: {  	[tilespmem:s5], [sflag:$0x4] =	stream.indirect.gather [spmem:s3], $0x2D8, s25, s11, $0xb8;
	[tilespmem:$0x19B80] =	vst v63  }
0x56: {  	_ =	swait.ge [sflag:s6], $0x5B00  }
0x57: {  	[sflag:s6] =	ssyncset.done $0x0  }
0x58: {  	s8 =	simm.s32 $0x5;
	s12 =	rddreg [dreg:$0x7];
	[sflag:s6] =	ssyncadd.s32 $0xFFFFA500  }
0x59: {  	[hbm4b:s12+s2] =	stream.linear.scatter [tilespmem:s10], [sflag:$0x5], $0x5B00, $0x38;
	[tilespmem:$0x19B80] =	vst v63  }
0x5a: {  	_ =	swait.ge [sflag:s8], $0x5B00  }
0x5b: {  	[sflag:s8] =	ssyncset.done $0x0  }
0x5c: {  	s26 =	simm.s32 $0x80;
	s15 =	simm.s32 $0x2;
	[sflag:s8] =	ssyncadd.s32 $0xFFFFA500  }
0x5d: {  	[tilespmem:s10], [sflag:$0x1] =	stream.indirect.gather [spmem:s3], $0x2D8, s26, s11, $0xb8;
	[tilespmem:$0x19B80] =	vst v63  }
0x5e: {  	_ =	swait.ge [sflag:s15], $0x5B00  }
0x5f: {  	[sflag:s15] =	ssyncset.done $0x0  }
0x60: {  	s12 =	simm.s32 $0x6;
	s14 =	rddreg [dreg:$0x8];
	[sflag:s15] =	ssyncadd.s32 $0xFFFFA500  }
0x61: {  	[hbm4b:s14+s2] =	stream.linear.scatter [tilespmem:s9], [sflag:$0x6], $0x5B00, $0x38;
	[tilespmem:$0x19B80] =	vst v63  }
0x62: {  	_ =	swait.ge [sflag:s12], $0x5B00  }
0x63: {  	[sflag:s12] =	ssyncset.done $0x0  }
0x64: {  	s16 =	simm.s32 $0x3;
	s20 =	simm.s32 $0xA0;
	[sflag:s12] =	ssyncadd.s32 $0xFFFFA500  }
0x65: {  	[tilespmem:s9], [sflag:$0x2] =	stream.indirect.gather [spmem:s3], $0x2D8, s20, s11, $0xb8;
	[tilespmem:$0x19B80] =	vst v63  }
0x66: {  	_ =	swait.ge [sflag:s16], $0x5B00  }
0x67: {  	[sflag:s16] =	ssyncset.done $0x0  }
0x68: {  	s14 =	simm.s32 $0x7;
	s17 =	rddreg [dreg:$0x9];
	[sflag:s16] =	ssyncadd.s32 $0xFFFFA500  }
0x69: {  	[hbm4b:s17+s2] =	stream.linear.scatter [tilespmem:s7], [sflag:$0x7], $0x5B00, $0x38;
	[tilespmem:$0x19B80] =	vst v63  }
0x6a: {  	_ =	swait.ge [sflag:s14], $0x5B00  }
0x6b: {  	[sflag:s14] =	ssyncset.done $0x0  }
0x6c: {  	s21 =	simm.s32 $0xC0;
	s19 =	simm.s32 $0x4;
	[sflag:s14] =	ssyncadd.s32 $0xFFFFA500  }
0x6d: {  	[tilespmem:s7], [sflag:$0x3] =	stream.indirect.gather [spmem:s3], $0x2D8, s21, s11, $0xb8;
	[tilespmem:$0x19B80] =	vst v63  }
0x6e: {  	_ =	swait.ge [sflag:s19], $0x5B00  }
0x6f: {  	[sflag:s19] =	ssyncset.done $0x0  }
0x70: {  	s17 =	simm.s32 $0x8;
	s22 =	rddreg [dreg:$0xa];
	[sflag:s19] =	ssyncadd.s32 $0xFFFFA500  }
0x71: {  	[hbm4b:s22+s2] =	stream.linear.scatter [tilespmem:s5], [sflag:$0x8], $0x5B00, $0x38;
	[tilespmem:$0x19B80] =	vst v63  }
0x72: {  	_ =	swait.ge [sflag:s17], $0x5B00  }
0x73: {  	[sflag:s17] =	ssyncset.done $0x0  }
0x74: {  	s22 =	simm.s32 $0xE0;
	[sflag:s17] =	ssyncadd.s32 $0xFFFFA500  }
0x75: {  	[tilespmem:s5], [sflag:$0x4] =	stream.indirect.gather [spmem:s3], $0x2D8, s22, s11, $0xb8;
	[tilespmem:$0x19B80] =	vst v63  }
0x76: {  	_ =	swait.ge [sflag:s6], $0x5B00  }
0x77: {  	[sflag:s6] =	ssyncset.done $0x0  }
0x78: {  	s23 =	rddreg [dreg:$0xb];
	[sflag:s6] =	ssyncadd.s32 $0xFFFFA500  }
0x79: {  	[hbm4b:s23+s2] =	stream.linear.scatter [tilespmem:s10], [sflag:$0x5], $0x5B00, $0x38;
	[tilespmem:$0x19B80] =	vst v63  }
0x7a: {  	_ =	swait.ge [sflag:s8], $0x5B00  }
0x7b: {  	[sflag:s8] =	ssyncset.done $0x0  }
0x7c: {  	s23 =	simm.s32 $0x100;
	[sflag:s8] =	ssyncadd.s32 $0xFFFFA500  }
0x7d: {  	[tilespmem:s10], [sflag:$0x1] =	stream.indirect.gather [spmem:s3], $0x2D8, s23, s11, $0xb8;
	[tilespmem:$0x19B80] =	vst v63  }
0x7e: {  	_ =	swait.ge [sflag:s15], $0x5B00  }
0x7f: {  	[sflag:s15] =	ssyncset.done $0x0  }
0x80: {  	s24 =	rddreg [dreg:$0xc];
	[sflag:s15] =	ssyncadd.s32 $0xFFFFA500  }
0x81: {  	[hbm4b:s24+s2] =	stream.linear.scatter [tilespmem:s9], [sflag:$0x6], $0x5B00, $0x38;
	[tilespmem:$0x19B80] =	vst v63  }
0x82: {  	_ =	swait.ge [sflag:s12], $0x5B00  }
0x83: {  	[sflag:s12] =	ssyncset.done $0x0  }
0x84: {  	s24 =	simm.s32 $0x120;
	[sflag:s12] =	ssyncadd.s32 $0xFFFFA500  }
0x85: {  	[tilespmem:s9], [sflag:$0x2] =	stream.indirect.gather [spmem:s3], $0x2D8, s24, s11, $0xb8;
	[tilespmem:$0x19B80] =	vst v63  }
0x86: {  	_ =	swait.ge [sflag:s16], $0x5B00  }
0x87: {  	[sflag:s16] =	ssyncset.done $0x0  }
0x88: {  	s25 =	rddreg [dreg:$0xd];
	[sflag:s16] =	ssyncadd.s32 $0xFFFFA500  }
0x89: {  	[hbm4b:s25+s2] =	stream.linear.scatter [tilespmem:s7], [sflag:$0x7], $0x5B00, $0x38;
	[tilespmem:$0x19B80] =	vst v63  }
0x8a: {  	_ =	swait.ge [sflag:s14], $0x5B00  }
0x8b: {  	[sflag:s14] =	ssyncset.done $0x0  }
0x8c: {  	s25 =	simm.s32 $0x140;
	[sflag:s14] =	ssyncadd.s32 $0xFFFFA500  }
0x8d: {  	[tilespmem:s7], [sflag:$0x3] =	stream.indirect.gather [spmem:s3], $0x2D8, s25, s11, $0xb8;
	[tilespmem:$0x19B80] =	vst v63  }
0x8e: {  	_ =	swait.ge [sflag:s19], $0x5B00  }
0x8f: {  	[sflag:s19] =	ssyncset.done $0x0  }
0x90: {  	s26 =	rddreg [dreg:$0xe];
	[sflag:s19] =	ssyncadd.s32 $0xFFFFA500  }
0x91: {  	[hbm4b:s26+s2] =	stream.linear.scatter [tilespmem:s5], [sflag:$0x8], $0x5B00, $0x38;
	[tilespmem:$0x19B80] =	vst v63  }
0x92: {  	_ =	swait.ge [sflag:s17], $0x5B00  }
0x93: {  	[sflag:s17] =	ssyncset.done $0x0  }
0x94: {  	s26 =	simm.s32 $0x160;
	[sflag:s17] =	ssyncadd.s32 $0xFFFFA500  }
0x95: {  	[tilespmem:s5], [sflag:$0x4] =	stream.indirect.gather [spmem:s3], $0x2D8, s26, s11, $0xb8;
	[tilespmem:$0x19B80] =	vst v63  }
0x96: {  	_ =	swait.ge [sflag:s6], $0x5B00  }
0x97: {  	[sflag:s6] =	ssyncset.done $0x0  }
0x98: {  	s28 =	rddreg [dreg:$0xf];
	[sflag:s6] =	ssyncadd.s32 $0xFFFFA500  }
0x99: {  	[hbm4b:s28+s2] =	stream.linear.scatter [tilespmem:s10], [sflag:$0x5], $0x5B00, $0x38;
	[tilespmem:$0x19B80] =	vst v63  }
0x9a: {  	_ =	swait.ge [sflag:s8], $0x5B00  }
0x9b: {  	[sflag:s8] =	ssyncset.done $0x0  }
0x9c: {  	s28 =	simm.s32 $0x180;
	[sflag:s8] =	ssyncadd.s32 $0xFFFFA500  }
0x9d: {  	[tilespmem:s10], [sflag:$0x1] =	stream.indirect.gather [spmem:s3], $0x2D8, s28, s11, $0xb8;
	[tilespmem:$0x19B80] =	vst v63  }
0x9e: {  	_ =	swait.ge [sflag:s15], $0x5B00  }
0x9f: {  	[sflag:s15] =	ssyncset.done $0x0  }
0xa0: {  	s29 =	rddreg [dreg:$0x10];
	[sflag:s15] =	ssyncadd.s32 $0xFFFFA500  }
0xa1: {  	[hbm4b:s29+s2] =	stream.linear.scatter [tilespmem:s9], [sflag:$0x6], $0x5B00, $0x38;
	[tilespmem:$0x19B80] =	vst v63  }
0xa2: {  	_ =	swait.ge [sflag:s12], $0x5B00  }
0xa3: {  	[sflag:s12] =	ssyncset.done $0x0  }
0xa4: {  	s29 =	simm.s32 $0x1A0;
	[sflag:s12] =	ssyncadd.s32 $0xFFFFA500  }
0xa5: {  	[tilespmem:s9], [sflag:$0x2] =	stream.indirect.gather [spmem:s3], $0x2D8, s29, s11, $0xb8;
	[tilespmem:$0x19B80] =	vst v63  }
0xa6: {  	_ =	swait.ge [sflag:s16], $0x5B00  }
0xa7: {  	[sflag:s16] =	ssyncset.done $0x0  }
0xa8: {  	s30 =	rddreg [dreg:$0x11];
	[sflag:s16] =	ssyncadd.s32 $0xFFFFA500  }
0xa9: {  	[hbm4b:s30+s2] =	stream.linear.scatter [tilespmem:s7], [sflag:$0x7], $0x5B00, $0x38;
	[tilespmem:$0x19B80] =	vst v63  }
0xaa: {  	_ =	swait.ge [sflag:s14], $0x5B00  }
0xab: {  	[sflag:s14] =	ssyncset.done $0x0  }
0xac: {  	s30 =	simm.s32 $0x1C0;
	[sflag:s14] =	ssyncadd.s32 $0xFFFFA500  }
0xad: {  	[tilespmem:s7], [sflag:$0x3] =	stream.indirect.gather [spmem:s3], $0x2D8, s30, s11, $0xb8;
	[tilespmem:$0x19B80] =	vst v63  }
0xae: {  	_ =	swait.ge [sflag:s19], $0x5B00  }
0xaf: {  	[sflag:s19] =	ssyncset.done $0x0  }
0xb0: {  	s1 =	ssub.s32 $0x2, s1;
	s31 =	rddreg [dreg:$0x12];
	[sflag:s19] =	ssyncadd.s32 $0xFFFFA500  }
0xb1: {  	[hbm4b:s31+s2] =	stream.linear.scatter [tilespmem:s5], [sflag:$0x8], $0x5B00, $0x38;
	[tilespmem:$0x19B80] =	vst v63  }
0xb2: {  	s31 =	sshrl.u32 s1, $0x1  }
0xb3: {  	s1 =	ssub.s32 s1, s31  }
0xb4: {  	s1 =	smax.u32 s1, $0x1  }
0xb5: {  	p0 =	sne.s32 s1, $0x1  }
.Ltmp0:
0xb6: {  	_ = 	snop;
	(pc) =	sbr.rel @!p0 .LBB2_2-.Ltmp0, $4  }
0xb7: {  	_ =	swait.ge [sflag:s17], $0x5B00  }
0xb8: {  	[sflag:s17] =	ssyncset.done $0x0  }
0xb9: {  	s31 =	simm.s32 $0x1E0;
	[sflag:s17] =	ssyncadd.s32 $0xFFFFA500;
	s1 =	sadd.s32 $0xFFFFFFFF, s1  }
0xba: {  	[tilespmem:s5], [sflag:$0x4] =	stream.indirect.gather [spmem:s3], $0x2D8, s31, s11, $0xb8;
	[tilespmem:$0x19B80] =	vst v63  }
.LBB2_1:
0xbb: {  	_ =	swait.ge [sflag:s6], $0x5B00  }
0xbc: {  	[sflag:s6] =	ssyncset.done $0x0  }
0xbd: {  	s0 =	rddreg [dreg:$0x13];
	[sflag:s6] =	ssyncadd.s32 $0xFFFFA500  }
0xbe: {  	[hbm4b:s0+s2] =	stream.linear.scatter [tilespmem:s10], [sflag:$0x5], $0x5B00, $0x38;
	[tilespmem:$0x19B80] =	vst v63  }
0xbf: {  	_ =	swait.ge [sflag:s15], $0x5B00  }
0xc0: {  	[sflag:s15] =	ssyncset.done $0x0  }
0xc1: {  	s13 =	rddreg [dreg:$0x14];
	[sflag:s15] =	ssyncadd.s32 $0xFFFFA500  }
0xc2: {  	[hbm4b:s13+s2] =	stream.linear.scatter [tilespmem:s9], [sflag:$0x6], $0x5B00, $0x38;
	[tilespmem:$0x19B80] =	vst v63  }
0xc3: {  	_ =	swait.ge [sflag:s16], $0x5B00  }
0xc4: {  	[sflag:s16] =	ssyncset.done $0x0  }
0xc5: {  	s18 =	rddreg [dreg:$0x15];
	[sflag:s16] =	ssyncadd.s32 $0xFFFFA500  }
0xc6: {  	[hbm4b:s18+s2] =	stream.linear.scatter [tilespmem:s7], [sflag:$0x7], $0x5B00, $0x38;
	[tilespmem:$0x19B80] =	vst v63  }
0xc7: {  	_ =	swait.ge [sflag:s19], $0x5B00  }
0xc8: {  	[sflag:s19] =	ssyncset.done $0x0  }
0xc9: {  	s13 =	rddreg [dreg:$0x16];
	[sflag:s19] =	ssyncadd.s32 $0xFFFFA500  }
0xca: {  	[hbm4b:s13+s2] =	stream.linear.scatter [tilespmem:s5], [sflag:$0x8], $0x5B00, $0x38;
	[tilespmem:$0x19B80] =	vst v63  }
0xcb: {  	_ =	swait.ge [sflag:s8], $0x5B00  }
0xcc: {  	[sflag:s8] =	ssyncset.done $0x0  }
0xcd: {  	[sflag:s8] =	ssyncadd.s32 $0xFFFFA500  }
0xce: {  	_ =	swait.ge [sflag:s12], $0x5B00  }
0xcf: {  	[sflag:s12] =	ssyncset.done $0x0  }
0xd0: {  	[sflag:s12] =	ssyncadd.s32 $0xFFFFA500  }
0xd1: {  	_ =	swait.ge [sflag:s14], $0x5B00  }
0xd2: {  	[sflag:s14] =	ssyncset.done $0x0  }
0xd3: {  	[sflag:s14] =	ssyncadd.s32 $0xFFFFA500  }
0xd4: {  	_ =	swait.ge [sflag:s17], $0x5B00  }
0xd5: {  	s0 =	rddreg [dreg:$0x4]  }
0xd6: {  	[sflag:s17] =	ssyncset.done $0x0;
	s13 =	rddreg [dreg:$0x17]  }
0xd7: {  	s18 =	rddreg [dreg:$0x5];
	[sflag:s17] =	ssyncadd.s32 $0xFFFFA500  }
0xd8: {  	[spmem:s13], [sflag:s18] =	dma.local [hbm:s0], $0x38E  }
0xd9: {  	s0 =	rddreg [dreg:$0x6]  }
0xda: {  	[tilespmem:s2], [sflag:$0x9] =	stream.linear.gather [hbm4b:s0+s2], $0x200, $0x38;
	[tilespmem:$0x19B80] =	vst v63  }
0xdb: {  	_ =	swait.ge [sflag:s4], $0x200  }
0xdc: {  	[sflag:s4] =	ssyncset.done $0x0  }
0xdd: {  	[sflag:s4] =	ssyncadd.s32 $0xFFFFFE00  }
0xde: {  	v1 =	vld [tilespmem:$0x1F0]  }
0xdf: {  	v2 =	vld [tilespmem:$0x1C0]  }
0xe0: {  	v4 =	vld [tilespmem:$0x1D0]  }
0xe1: {  	v6 =	vld [tilespmem:$0x1B0]  }
0xe2: {  	v7 =	vld [tilespmem:$0x1A0]  }
0xe3: {  	v3 =	vld [tilespmem:$0x1E0];
	v1 =	vadd.s32 v0, v1  }
0xe4: {  	v5 =	vld [tilespmem:$0x140];
	v2 =	vadd.s32 v0, v2;
	[tilespmem:$0x1F0] =	vst v1  }
0xe5: {  	v50 =	vld [tilespmem:$0xC0];
	v4 =	vadd.s32 v0, v4;
	[tilespmem:$0x1C0] =	vst v2  }
0xe6: {  	v54 =	vld [tilespmem:$0xE0];
	v49 =	vadd.s32 v0, v6;
	[tilespmem:$0x1D0] =	vst v4  }
0xe7: {  	v61 =	vld [tilespmem:$0x20];
	v7 =	vadd.s32 v0, v7;
	[tilespmem:$0x1B0] =	vst v49  }
0xe8: {  	v1 =	vld [tilespmem:$0x190];
	v2 =	vadd.s32 v0, v3;
	[tilespmem:$0x1A0] =	vst v7  }
0xe9: {  	v3 =	vld [tilespmem:$0x170];
	[tilespmem:$0x1E0] =	vst v2;
	v2 =	vadd.s32 v0, v5  }
0xea: {  	v53 =	vadd.s32 v0, v50;
	[tilespmem:$0x140] =	vst v2;
	v2 =	vld [tilespmem:$0x150]  }
0xeb: {  	v51 =	vld [tilespmem:$0x130];
	v6 =	vadd.s32 v0, v54;
	[tilespmem:$0xC0] =	vst v53  }
0xec: {  	v52 =	vld [tilespmem:$0x120];
	v63 =	vadd.s32 v0, v61;
	[tilespmem:$0xE0] =	vst v6  }
0xed: {  	v58 =	vld [tilespmem:$0x70];
	[tilespmem:$0x20] =	vst v63;
	v1 =	vadd.s32 v0, v1  }
0xee: {  	v3 =	vadd.s32 v0, v3;
	[tilespmem:$0x190] =	vst v1;
	v1 =	vld [tilespmem:$0x110]  }
0xef: {  	[tilespmem:$0x170] =	vst v3;
	v3 =	vld [tilespmem:$0xF0];
	v2 =	vadd.s32 v0, v2  }
0xf0: {  	v4 =	vadd.s32 v0, v51;
	[tilespmem:$0x150] =	vst v2;
	v2 =	vld [tilespmem:$0xD0]  }
0xf1: {  	v48 =	vld [tilespmem:$0x160];
	v7 =	vadd.s32 v0, v52;
	[tilespmem:$0x130] =	vst v4  }
0xf2: {  	v56 =	vld [tilespmem:$0xB0];
	v6 =	vadd.s32 v0, v58;
	[tilespmem:$0x120] =	vst v7  }
0xf3: {  	v57 =	vld [tilespmem:$0xA0];
	[tilespmem:$0x70] =	vst v6;
	v1 =	vadd.s32 v0, v1  }
0xf4: {  	v3 =	vadd.s32 v0, v3;
	[tilespmem:$0x110] =	vst v1;
	v1 =	vld [tilespmem:$0x90]  }
0xf5: {  	[tilespmem:$0xF0] =	vst v3;
	v3 =	vld [tilespmem:$0x80];
	v2 =	vadd.s32 v0, v2  }
0xf6: {  	v5 =	vadd.s32 v0, v48;
	[tilespmem:$0xD0] =	vst v2;
	v2 =	vld [tilespmem:$0x60]  }
0xf7: {  	v55 =	vld [tilespmem:$0x30];
	v4 =	vadd.s32 v0, v56;
	[tilespmem:$0x160] =	vst v5  }
0xf8: {  	v60 =	vld [tilespmem:$0x40];
	v7 =	vadd.s32 v0, v57;
	[tilespmem:$0xB0] =	vst v4  }
0xf9: {  	v59 =	vld [tilespmem:$0x50];
	[tilespmem:$0xA0] =	vst v7;
	v1 =	vadd.s32 v0, v1  }
0xfa: {  	v3 =	vadd.s32 v0, v3;
	[tilespmem:$0x90] =	vst v1;
	v1 =	vld [tilespmem:$0x180]  }
0xfb: {  	[tilespmem:$0x80] =	vst v3;
	v3 =	vld [tilespmem:$0x10];
	v2 =	vadd.s32 v0, v2  }
0xfc: {  	v5 =	vadd.s32 v0, v55;
	[tilespmem:$0x60] =	vst v2;
	v2 =	vld [tilespmem:$0x100]  }
0xfd: {  	v62 =	vld [tilespmem:$0x0];
	v4 =	vadd.s32 v0, v60;
	[tilespmem:$0x30] =	vst v5  }
0xfe: {  	v5 =	vadd.s32 v0, v59;
	[tilespmem:$0x40] =	vst v4  }
0xff: {  	[tilespmem:$0x50] =	vst v5;
	v1 =	vadd.s32 v0, v1  }
0x100: {  	[tilespmem:$0x180] =	vst v1;
	v1 =	vadd.s32 v0, v3  }
0x101: {  	[tilespmem:$0x10] =	vst v1;
	v1 =	vadd.s32 v0, v2  }
0x102: {  	v2 =	vadd.s32 v0, v62;
	[tilespmem:$0x100] =	vst v1  }
0x103: {  	[tilespmem:$0x0] =	vst v2  }
0x104: {  	_ =	swait.ge [sflag:s6], $0x38E  }
0x105: {  	[sflag:s6] =	ssyncset.done $0x0  }
0x106: {  	[sflag:s6] =	ssyncadd.s32 $0xFFFFFC72  }
0x107: {  	[tilespmem:s10], [sflag:$0x1] =	stream.indirect.gather [spmem:s3], $0x2D8, s2, s11, $0xb8;
	[tilespmem:$0x19B80] =	vst v63  }
0x108: {  	_ = 	snop  }
0x109: {  	[tilespmem:s9], [sflag:$0x2] =	stream.indirect.gather [spmem:s3], $0x2D8, s11, s11, $0xb8;
	[tilespmem:$0x19B80] =	vst v63  }
0x10a: {  	s18 =	rddreg [dreg:$0x18]  }
0x10b: {  	[tilespmem:s7], [sflag:$0x3] =	stream.indirect.gather [spmem:s3], $0x2D8, s18, s11, $0xb8;
	[tilespmem:$0x19B80] =	vst v63  }
0x10c: {  	s13 =	simm.s32 $0x60  }
0x10d: {  	[tilespmem:s5], [sflag:$0x4] =	stream.indirect.gather [spmem:s3], $0x2D8, s13, s11, $0xb8;
	[tilespmem:$0x19B80] =	vst v63  }
0x10e: {  	_ =	swait.ge [sflag:s6], $0x5B00  }
0x10f: {  	[sflag:s6] =	ssyncset.done $0x0  }
0x110: {  	s18 =	rddreg [dreg:$0x7];
	[sflag:s6] =	ssyncadd.s32 $0xFFFFA500  }
0x111: {  	[hbm4b:s18+s2] =	stream.linear.scatter [tilespmem:s10], [sflag:$0x5], $0x5B00, $0x38;
	[tilespmem:$0x19B80] =	vst v63  }
0x112: {  	_ =	swait.ge [sflag:s8], $0x5B00  }
0x113: {  	[sflag:s8] =	ssyncset.done $0x0  }
0x114: {  	s13 =	simm.s32 $0x80;
	[sflag:s8] =	ssyncadd.s32 $0xFFFFA500  }
0x115: {  	[tilespmem:s10], [sflag:$0x1] =	stream.indirect.gather [spmem:s3], $0x2D8, s13, s11, $0xb8;
	[tilespmem:$0x19B80] =	vst v63  }
0x116: {  	_ =	swait.ge [sflag:s15], $0x5B00  }
0x117: {  	[sflag:s15] =	ssyncset.done $0x0  }
0x118: {  	s18 =	rddreg [dreg:$0x8];
	[sflag:s15] =	ssyncadd.s32 $0xFFFFA500  }
0x119: {  	[hbm4b:s18+s2] =	stream.linear.scatter [tilespmem:s9], [sflag:$0x6], $0x5B00, $0x38;
	[tilespmem:$0x19B80] =	vst v63  }
0x11a: {  	_ =	swait.ge [sflag:s12], $0x5B00  }
0x11b: {  	[sflag:s12] =	ssyncset.done $0x0  }
0x11c: {  	[sflag:s12] =	ssyncadd.s32 $0xFFFFA500  }
0x11d: {  	[tilespmem:s9], [sflag:$0x2] =	stream.indirect.gather [spmem:s3], $0x2D8, s20, s11, $0xb8;
	[tilespmem:$0x19B80] =	vst v63  }
0x11e: {  	_ =	swait.ge [sflag:s16], $0x5B00  }
0x11f: {  	[sflag:s16] =	ssyncset.done $0x0  }
0x120: {  	s13 =	rddreg [dreg:$0x9];
	[sflag:s16] =	ssyncadd.s32 $0xFFFFA500  }
0x121: {  	[hbm4b:s13+s2] =	stream.linear.scatter [tilespmem:s7], [sflag:$0x7], $0x5B00, $0x38;
	[tilespmem:$0x19B80] =	vst v63  }
0x122: {  	_ =	swait.ge [sflag:s14], $0x5B00  }
0x123: {  	[sflag:s14] =	ssyncset.done $0x0  }
0x124: {  	[sflag:s14] =	ssyncadd.s32 $0xFFFFA500  }
0x125: {  	[tilespmem:s7], [sflag:$0x3] =	stream.indirect.gather [spmem:s3], $0x2D8, s21, s11, $0xb8;
	[tilespmem:$0x19B80] =	vst v63  }
0x126: {  	_ =	swait.ge [sflag:s19], $0x5B00  }
0x127: {  	[sflag:s19] =	ssyncset.done $0x0  }
0x128: {  	s18 =	rddreg [dreg:$0xa];
	[sflag:s19] =	ssyncadd.s32 $0xFFFFA500  }
0x129: {  	[hbm4b:s18+s2] =	stream.linear.scatter [tilespmem:s5], [sflag:$0x8], $0x5B00, $0x38;
	[tilespmem:$0x19B80] =	vst v63  }
0x12a: {  	_ =	swait.ge [sflag:s17], $0x5B00  }
0x12b: {  	[sflag:s17] =	ssyncset.done $0x0  }
0x12c: {  	[sflag:s17] =	ssyncadd.s32 $0xFFFFA500  }
0x12d: {  	[tilespmem:s5], [sflag:$0x4] =	stream.indirect.gather [spmem:s3], $0x2D8, s22, s11, $0xb8;
	[tilespmem:$0x19B80] =	vst v63  }
0x12e: {  	_ =	swait.ge [sflag:s6], $0x5B00  }
0x12f: {  	[sflag:s6] =	ssyncset.done $0x0  }
0x130: {  	s13 =	rddreg [dreg:$0xb];
	[sflag:s6] =	ssyncadd.s32 $0xFFFFA500  }
0x131: {  	[hbm4b:s13+s2] =	stream.linear.scatter [tilespmem:s10], [sflag:$0x5], $0x5B00, $0x38;
	[tilespmem:$0x19B80] =	vst v63  }
0x132: {  	_ =	swait.ge [sflag:s8], $0x5B00  }
0x133: {  	[sflag:s8] =	ssyncset.done $0x0  }
0x134: {  	[sflag:s8] =	ssyncadd.s32 $0xFFFFA500  }
0x135: {  	[tilespmem:s10], [sflag:$0x1] =	stream.indirect.gather [spmem:s3], $0x2D8, s23, s11, $0xb8;
	[tilespmem:$0x19B80] =	vst v63  }
0x136: {  	_ =	swait.ge [sflag:s15], $0x5B00  }
0x137: {  	[sflag:s15] =	ssyncset.done $0x0  }
0x138: {  	s18 =	rddreg [dreg:$0xc];
	[sflag:s15] =	ssyncadd.s32 $0xFFFFA500  }
0x139: {  	[hbm4b:s18+s2] =	stream.linear.scatter [tilespmem:s9], [sflag:$0x6], $0x5B00, $0x38;
	[tilespmem:$0x19B80] =	vst v63  }
0x13a: {  	_ =	swait.ge [sflag:s12], $0x5B00  }
0x13b: {  	[sflag:s12] =	ssyncset.done $0x0  }
0x13c: {  	[sflag:s12] =	ssyncadd.s32 $0xFFFFA500  }
0x13d: {  	[tilespmem:s9], [sflag:$0x2] =	stream.indirect.gather [spmem:s3], $0x2D8, s24, s11, $0xb8;
	[tilespmem:$0x19B80] =	vst v63  }
0x13e: {  	_ =	swait.ge [sflag:s16], $0x5B00  }
0x13f: {  	[sflag:s16] =	ssyncset.done $0x0  }
0x140: {  	s13 =	rddreg [dreg:$0xd];
	[sflag:s16] =	ssyncadd.s32 $0xFFFFA500  }
0x141: {  	[hbm4b:s13+s2] =	stream.linear.scatter [tilespmem:s7], [sflag:$0x7], $0x5B00, $0x38;
	[tilespmem:$0x19B80] =	vst v63  }
0x142: {  	_ =	swait.ge [sflag:s14], $0x5B00  }
0x143: {  	[sflag:s14] =	ssyncset.done $0x0  }
0x144: {  	[sflag:s14] =	ssyncadd.s32 $0xFFFFA500  }
0x145: {  	[tilespmem:s7], [sflag:$0x3] =	stream.indirect.gather [spmem:s3], $0x2D8, s25, s11, $0xb8;
	[tilespmem:$0x19B80] =	vst v63  }
0x146: {  	_ =	swait.ge [sflag:s19], $0x5B00  }
0x147: {  	[sflag:s19] =	ssyncset.done $0x0  }
0x148: {  	s18 =	rddreg [dreg:$0xe];
	[sflag:s19] =	ssyncadd.s32 $0xFFFFA500  }
0x149: {  	[hbm4b:s18+s2] =	stream.linear.scatter [tilespmem:s5], [sflag:$0x8], $0x5B00, $0x38;
	[tilespmem:$0x19B80] =	vst v63  }
0x14a: {  	_ =	swait.ge [sflag:s17], $0x5B00  }
0x14b: {  	[sflag:s17] =	ssyncset.done $0x0  }
0x14c: {  	[sflag:s17] =	ssyncadd.s32 $0xFFFFA500  }
0x14d: {  	[tilespmem:s5], [sflag:$0x4] =	stream.indirect.gather [spmem:s3], $0x2D8, s26, s11, $0xb8;
	[tilespmem:$0x19B80] =	vst v63  }
0x14e: {  	_ =	swait.ge [sflag:s6], $0x5B00  }
0x14f: {  	[sflag:s6] =	ssyncset.done $0x0  }
0x150: {  	s13 =	rddreg [dreg:$0xf];
	[sflag:s6] =	ssyncadd.s32 $0xFFFFA500  }
0x151: {  	[hbm4b:s13+s2] =	stream.linear.scatter [tilespmem:s10], [sflag:$0x5], $0x5B00, $0x38;
	[tilespmem:$0x19B80] =	vst v63  }
0x152: {  	_ =	swait.ge [sflag:s8], $0x5B00  }
0x153: {  	[sflag:s8] =	ssyncset.done $0x0  }
0x154: {  	[sflag:s8] =	ssyncadd.s32 $0xFFFFA500  }
0x155: {  	[tilespmem:s10], [sflag:$0x1] =	stream.indirect.gather [spmem:s3], $0x2D8, s28, s11, $0xb8;
	[tilespmem:$0x19B80] =	vst v63  }
0x156: {  	_ =	swait.ge [sflag:s15], $0x5B00  }
0x157: {  	[sflag:s15] =	ssyncset.done $0x0  }
0x158: {  	s18 =	rddreg [dreg:$0x10];
	[sflag:s15] =	ssyncadd.s32 $0xFFFFA500  }
0x159: {  	[hbm4b:s18+s2] =	stream.linear.scatter [tilespmem:s9], [sflag:$0x6], $0x5B00, $0x38;
	[tilespmem:$0x19B80] =	vst v63  }
0x15a: {  	_ =	swait.ge [sflag:s12], $0x5B00  }
0x15b: {  	[sflag:s12] =	ssyncset.done $0x0  }
0x15c: {  	[sflag:s12] =	ssyncadd.s32 $0xFFFFA500  }
0x15d: {  	[tilespmem:s9], [sflag:$0x2] =	stream.indirect.gather [spmem:s3], $0x2D8, s29, s11, $0xb8;
	[tilespmem:$0x19B80] =	vst v63  }
0x15e: {  	_ =	swait.ge [sflag:s16], $0x5B00  }
0x15f: {  	[sflag:s16] =	ssyncset.done $0x0  }
0x160: {  	s13 =	rddreg [dreg:$0x11];
	[sflag:s16] =	ssyncadd.s32 $0xFFFFA500  }
0x161: {  	[hbm4b:s13+s2] =	stream.linear.scatter [tilespmem:s7], [sflag:$0x7], $0x5B00, $0x38;
	[tilespmem:$0x19B80] =	vst v63  }
0x162: {  	_ =	swait.ge [sflag:s14], $0x5B00  }
0x163: {  	[sflag:s14] =	ssyncset.done $0x0  }
0x164: {  	[sflag:s14] =	ssyncadd.s32 $0xFFFFA500  }
0x165: {  	[tilespmem:s7], [sflag:$0x3] =	stream.indirect.gather [spmem:s3], $0x2D8, s30, s11, $0xb8;
	[tilespmem:$0x19B80] =	vst v63  }
0x166: {  	_ =	swait.ge [sflag:s19], $0x5B00  }
0x167: {  	[sflag:s19] =	ssyncset.done $0x0  }
0x168: {  	p0 =	sne.s32 s1, $0x1;
	s18 =	rddreg [dreg:$0x12];
	[sflag:s19] =	ssyncadd.s32 $0xFFFFA500  }
0x169: {  	[hbm4b:s18+s2] =	stream.linear.scatter [tilespmem:s5], [sflag:$0x8], $0x5B00, $0x38;
	[tilespmem:$0x19B80] =	vst v63  }
.Ltmp1:
0x16a: {  	_ = 	snop;
	(pc) =	sbr.rel @p0 .LBB2_1-.Ltmp1, $4  }
0x16b: {  	_ =	swait.ge [sflag:s17], $0x5B00  }
0x16c: {  	[sflag:s17] =	ssyncset.done $0x0  }
0x16d: {  	s1 =	sadd.s32 $0xFFFFFFFF, s1;
	[sflag:s17] =	ssyncadd.s32 $0xFFFFA500  }
0x16e: {  	[tilespmem:s5], [sflag:$0x4] =	stream.indirect.gather [spmem:s3], $0x2D8, s31, s11, $0xb8;
	[tilespmem:$0x19B80] =	vst v63  }
.LBB2_2:
0x16f: {  	_ =	swait.ge [sflag:s6], $0x5B00  }
0x170: {  	[sflag:s6] =	ssyncset.done $0x0  }
0x171: {  	s0 =	rddreg [dreg:$0x13];
	[sflag:s6] =	ssyncadd.s32 $0xFFFFA500  }
0x172: {  	[hbm4b:s0+s2] =	stream.linear.scatter [tilespmem:s10], [sflag:$0x5], $0x5B00, $0x38;
	[tilespmem:$0x19B80] =	vst v63  }
0x173: {  	_ =	swait.ge [sflag:s15], $0x5B00  }
0x174: {  	[sflag:s15] =	ssyncset.done $0x0  }
0x175: {  	s28 =	rddreg [dreg:$0x14];
	[sflag:s15] =	ssyncadd.s32 $0xFFFFA500  }
0x176: {  	[hbm4b:s28+s2] =	stream.linear.scatter [tilespmem:s9], [sflag:$0x6], $0x5B00, $0x38;
	[tilespmem:$0x19B80] =	vst v63  }
0x177: {  	_ =	swait.ge [sflag:s16], $0x5B00  }
0x178: {  	[sflag:s16] =	ssyncset.done $0x0  }
0x179: {  	s29 =	rddreg [dreg:$0x15];
	[sflag:s16] =	ssyncadd.s32 $0xFFFFA500  }
0x17a: {  	[hbm4b:s29+s2] =	stream.linear.scatter [tilespmem:s7], [sflag:$0x7], $0x5B00, $0x38;
	[tilespmem:$0x19B80] =	vst v63  }
0x17b: {  	_ =	swait.ge [sflag:s19], $0x5B00  }
0x17c: {  	[sflag:s19] =	ssyncset.done $0x0  }
0x17d: {  	s30 =	rddreg [dreg:$0x16];
	[sflag:s19] =	ssyncadd.s32 $0xFFFFA500  }
0x17e: {  	[hbm4b:s30+s2] =	stream.linear.scatter [tilespmem:s5], [sflag:$0x8], $0x5B00, $0x38;
	[tilespmem:$0x19B80] =	vst v63  }
0x17f: {  	_ =	swait.ge [sflag:s8], $0x5B00  }
0x180: {  	[sflag:s8] =	ssyncset.done $0x0  }
0x181: {  	[sflag:s8] =	ssyncadd.s32 $0xFFFFA500  }
0x182: {  	_ =	swait.ge [sflag:s12], $0x5B00  }
0x183: {  	[sflag:s12] =	ssyncset.done $0x0  }
0x184: {  	[sflag:s12] =	ssyncadd.s32 $0xFFFFA500  }
0x185: {  	_ =	swait.ge [sflag:s14], $0x5B00  }
0x186: {  	[sflag:s14] =	ssyncset.done $0x0  }
0x187: {  	[sflag:s14] =	ssyncadd.s32 $0xFFFFA500  }
0x188: {  	_ =	swait.ge [sflag:s17], $0x5B00  }
0x189: {  	[sflag:s17] =	ssyncset.done $0x0  }
0x18a: {  	[sflag:s17] =	ssyncadd.s32 $0xFFFFA500  }
0x18b: {  	_ =	sfence.sel $0x180000  }
0x18c: {  	[bflag:$0x0] =	sbarrier.arrive $0xFFFF  }
0x18d: {  	_ =	strace $0x90000047  }
0x18e: {  	s31 =	stileid.u32;
	[bflag:$0x2] =	sbarrier.arrive $0xFFFF  }
0x18f: {  	p0 =	sne.s32 s31, $0x0;
	s0 =	rddreg [dreg:$0x3]  }
0x190: {  	s0 =	sadd.s32 @!p0 $0x100000, s0  }
0x191: {  	[sflag:s0] =	ssyncadd.tile.s32 @!p0 $0x1;
	_ =	shalt  }
.Lfunc_end2:
_tile_overlayer_lowered:
.L_overlay_start_2:
0x192: {  	(tag) =	ssettag $0x2  }
0x193: {  	s0 =	rddreg [dreg:$0x0];
	s2 =	stileid.u32  }
0x194: {  	s1 =	rddreg [dreg:$0x1];
	p0 =	sne.s32 s2, $0x0  }
0x195: {  	s3 =	rddreg [dreg:$0x2];
	[bflag:$0x3] =	sbarrier.arrive $0xFFFF;
	s2 =	simm.s32 @!p0 $0x1C09  }
0x196: {  	[timem:s3], [sflag:s2] =	dma.local @!p0 [hbm:s0], s1  }
0x197: {  	s0 =	simm.s32 @!p0 $0x9  }
0x198: {  	_ =	swait.ge @!p0 [sflag:s0], s1  }
0x199: {  	s1 =	ssub.s32 @!p0 $0x0, s1;
	[sflag:s0] =	ssyncset.done @!p0 $0x0  }
0x19a: {  	[sflag:s0] =	ssyncadd.s32 @!p0 s1  }
0x19b: {  	[bflag:$0x3] =	sbarrier.arrive $0xFFFF  }
0x19c: {  	_ =	shalt  }

// kernel: sparse-core-data-format-call.cloned.1.call-start
scs
called_computation_lowered:
.L_overlay_start_0:
0x0: {  	s2 =	sld [smem:$0x3FD9]  }
0x1: {  	s3 =	sld [smem:$0x3FFE];
	_ =	sdelay $0x1  }
0x2: {  	s1 =	srdreg.scid  }
0x3: {  	s0 =	sand.u32 $0x1, s1  }
0x4: {  	s18 =	sshll.u32 s0, $0xA;
	s2 =	sadd.s32 s3, s2  }
0x5: {  	s2 =	sadd.s32 s2, s18  }
0x6: {  	[smem:$0x3FC6] =	sst s2  }
0x7: {  	_ = 	snop  }
0x8: {  	s2 =	sld [smem:$0x3FD0];
	(tm) =	ssettm $0x1  }
0x9: {  	s19 =	sld [smem:$0x3FFB];
	_ =	sdelay $0x3  }
0xa: {  	_ =	strace s19  }
0xb: {  	s3 =	sld [smem:$0x3FFC];
	_ =	sdelay $0x3  }
0xc: {  	_ =	strace s3  }
0xd: {  	s3 =	sld [smem:$0x3FFD];
	_ =	sdelay $0x3  }
0xe: {  	_ =	strace s3  }
0xf: {  	_ =	strace $0x8FFFFFFF  }
0x10: {  	s20 =	sld [smem:$0x3FDB];
	_ =	sdelay $0x1  }
0x11: {  	s4 =	simm.s32 $_scs_section_size  }
0x12: {  	s5 =	simm.s32 $_size__tile_overlayer_lowered;
	s6 =	simm.s32 $_tile_overlayer_lowered  }
0x13: {  	s23 =	simm.s32 $0x1BFF;
	s22 =	sshll.u32 s6, $0x1;
	s3 =	sadd.s32 s4, s20  }
0x14: {  	s7 =	simm.s32 $0x0;
	s21 =	sshll.u32 s5, $0x1;
	s5 =	sadd.s32 s22, s3  }
0x15: {  	[timem:s7], [sflag:s23] =	dma.local [hbm:s5], s21  }
0x16: {  	_ =	swait.ge [sflag:s23], s21  }
0x17: {  	s4 =	ssub.s32 $0x0, s21;
	[sflag:s23] =	ssyncset.done $0x0  }
0x18: {  	[sflag:s23] =	ssyncadd.s32 s4;
	_ =	sdelay $0x1  }
0x19: {  	s24 =	simm.s32 $0x1B8B  }
0x1a: {  	_ =	swait.ge [sflag:s24], $0x1  }
0x1b: {  	[sflag:s24] =	ssyncset.done $0x0  }
0x1c: {  	s26 =	simm.s32 $0x1B8E;
	s25 =	sld [smem:$0x3FFE];
	[sflag:s24] =	ssyncadd.s32 $0xFFFFFFFF  }
0x1d: {  	s27 =	simm.s32 $execute0_lowered;
	[smem:$0x3FD2] =	sst s26  }
0x1e: {  	s5 =	sshll.u32 s27, $0x1;
	_ =	strace $0x80000049;
	[dreg:$0x1] =	wrdreg $0xFFFFFFFF  }
0x1f: {  	s28 =	simm.s32 $_size_execute0_lowered;
	s3 =	sadd.s32 s3, s5;
	[dreg:$0x0] =	wrdreg $0x0  }
0x20: {  	s5 =	sshll.u32 s28, $0x1;
	[dreg:$0x2] =	wrdreg s3  }
0x21: {  	[dreg:$0x3] =	wrdreg s5  }
0x22: {  	[dreg:$0x4] =	wrdreg $0xC0  }
0x23: {  	_ =	task [dreg:s7], $0x5FFFF  }
0x24: {  	[dreg:$0x1] =	wrdreg $0xFFFFFFFF  }
0x25: {  	[dreg:$0x0] =	wrdreg $0x60  }
0x26: {  	[dreg:$0x2] =	wrdreg s25  }
0x27: {  	[dreg:$0x3] =	wrdreg s2  }
0x28: {  	[dreg:$0x4] =	wrdreg $0x9  }
0x29: {  	_ =	task.clear_ibuf [dreg:s7], $0x5FFFF;
	_ =	strace $0x90000049  }
0x2a: {  	s29 =	simm.s32 $0x9;
	_ =	strace $0x8000004B  }
0x2b: {  	_ =	swait.ge [sflag:s29], $0x1  }
0x2c: {  	[sflag:s29] =	ssyncadd.s32 $0xFFFFFFFF  }
0x2d: {  	_ =	strace $0x9000004B  }
0x2e: {  	_ =	sfence  }
0x2f: {  	s30 =	sld [smem:$0x0];
	_ =	sdelay $0x2  }
0x30: {  	s31 =	sshll.u32 s1, $0xD;
	s1 =	sshrl.u32 s1, $0x2  }
0x31: {  	s3 =	sand.u32 $0x4000, s31;
	s1 =	sadd.s32 s1, s30  }
0x32: {  	s0 =	sor.u32 s3, s0;
	s1 =	sshll.u32 s1, $0x11  }
0x33: {  	s0 =	sor.u32 s1, s0  }
0x34: {  	s0 =	sadd.s32 $0x8F2B, s0  }
0x35: {  	[sflag:s0] =	ssyncadd.remote.s32 $0x1  }
0x36: {  	_ =	sfence.sel $0xFFFF  }
0x37: {  	[dreg:$0x0] =	wrdreg $0xFFFFFFFF;
	(pc) =	sbr.abs _section_cstart, $3  }
0x38: {  	[dreg:$0x1] =	wrdreg $0xFFFFFFFF  }
0x39: {  	_ =	task.clear_ibuf [dreg:s7], $0x2FFFF;
	_ =	strace $0x9FFFFFFF  }
0x3a: {  	(tm) =	ssettm $0x7FFFFFFF  }
0x3b: {  	_ =	shalt  }
tec
execute0_lowered:
.L_overlay_start_1:
0x0: {  	(tag) =	ssettag $0x1  }
0x1: {  	s0 =	srdreg.scid  }
0x2: {  	s1 =	sshll.u32 s0, $0x4  }
0x3: {  	s6 =	rddreg [dreg:$0x0];
	s0 =	stileid.u32;
	s1 =	sand.u32 $0x10, s1  }
0x4: {  	s3 =	rddreg [dreg:$0x1];
	s1 =	sor.u32 s0, s1  }
0x5: {  	s5 =	simm.s32 $0x1;
	s31 =	simm.s32 $0x2;
	s2 =	sshll.u32 s1, $0x7  }
0x6: {  	s15 =	simm.s32 $0x0;
	s8 =	simm.s32 $0x20000;
	s4 =	ssub.s32 $0x4000, s2  }
0x7: {  	s14 =	simm.s32 $0x0;
	s9 =	simm.s32 $0x0;
	s30 =	sand.u32 $0xF80, s4  }
0x8: {  	s10 =	simm.s32 $0x0;
	s11 =	simm.s32 $0x0;
	p0 =	sne.s32 s30, $0x0  }
.Ltmp0:
0x9: {  	s7 =	sshrl.u32 s4, $0xC;
	s5 =	simm.s32 @!p0 $0x0;
	(pc) =	sbr.rel .LBB1_1-.Ltmp0, $4  }
0xa: {  	s13 =	simm.s32 $0x0;
	s1 =	rddreg [dreg:$0x2];
	s5 =	sadd.s32 s5, s7  }
0xb: {  	_ =	strace $0x8000004A;
	s4 =	simm.s32 $0x1;
	s5 =	smul.u32 $0x6, s5  }
0xc: {  	s6 =	sadd.s32 $0x800, s6;
	s12 =	smov.u32 s2;
	[sflag:s4] =	ssyncpa.u1 $0x0  }
0xd: {  	[sflag:s31] =	ssyncpa.u1 $0x0;
	p0 =	por $0x0, $0x0;
	s7 =	sor.u32 $0x1, s5  }
.LBB1_4:
0xe: {  	s20 =	sshra.s32 s20, $0x2  }
0xf: {  	s28 =	sand.u32 $0x78, s10;
	s21 =	sshll.u32 s9, $0xE;
	s22 =	sshll.u32 s10, $0x3  }
0x10: {  	s24 =	sshll.u32 s9, $0x7;
	p1 =	sgt.s32 s9, $0x258;
	s30 =	sshra.s32 s9, $0x1F  }
0x11: {  	s26 =	sshra.s32 s10, $0x1F;
	s19 =	sadd.s32 s20, s19;
	s21 =	sand.u32 $0xFFFE0000, s21  }
0x12: {  	v5 =	vld [tilespmem:s17+$0xFFFFFFD0];
	[tilespmem:s18+$0x2040 ss:$0x81] =	vst.msk $0xffff, v4;
	s23 =	sand.u32 $0xFFFFFC00, s22;
	s29 =	sand.u32 $0x380, s24;
	s22 =	sand.u32 $0x3C00, s22  }
0x13: {  	v58 =	vld [tilespmem:s17+$0xFFFFFFE0];
	[tilespmem:s18+$0x2850 ss:$0x81] =	vst.msk $0xffff, v3;
	s21 =	sadd.s32 s23, s21;
	s20 =	sor.u32 s28, s22;
	s22 =	smov.u32 s9  }
0x14: {  	v59 =	vld [tilespmem:s17+$0xFFFFFFF0];
	[tilespmem:s18+$0x3060 ss:$0x81] =	vst.msk $0xffff, v2;
	s24 =	sand.u32 s30, s9;
	s21 =	sshrl.u32 s21, $0xE;
	s22 =	simm.s32 @!p1 $0x258  }
0x15: {  	v60 =	vld [tilespmem:s17+$0x0];
	[tilespmem:s18+$0x0 ss:$0x81] =	vst.msk $0xffff, v1;
	p1 =	sgt.s32 s10, $0x3F80;
	s31 =	ssub.s32 s22, s24;
	s22 =	smov.u32 s10  }
0x16: {  	v61 =	vld [tilespmem:s17+$0x10];
	[tilespmem:s19+$0x3870 ss:$0x81] =	vst.msk $0xffff, v0;
	s25 =	smulhi.u32 $0x5A05A1, s21;
	s24 =	sand.u32 s26, s10;
	s22 =	simm.s32 @!p1 $0x3F80  }
0x17: {  	v62 =	vld [tilespmem:s17+$0x20];
	s20 =	sor.u32 s29, s20;
	[tilespmem:s19+$0x810 ss:$0x81] =	vst.msk $0xffff, v5;
	s27 =	sadd.s32 $0xFFFFFDA8, s31;
	s22 =	ssub.s32 s22, s24  }
0x18: {  	v63 =	vld [tilespmem:s17+$0xFFFFFFC0];
	[tilespmem:s19+$0x1020 ss:$0x81] =	vst.msk $0xffff, v58;
	s18 =	ssub.s32 $0x2D8, s31;
	s28 =	smul.u32 $0x2D8, s25;
	s29 =	sadd.s32 $0xFFFFC080, s22  }
0x19: {  	[tilespmem:s19+$0x1830 ss:$0x81] =	vst.msk $0xffff, v59;
	p1 =	sgt.s32 s27, $0x7F;
	s22 =	ssub.s32 $0x4000, s22;
	p2 =	sgt.s32 s29, $0x7F  }
0x1a: {  	s30 =	sand.u32 $0x7, s10;
	[tilespmem:s19+$0x2040 ss:$0x81] =	vst.msk $0xffff, v60;
	s18 =	simm.s32 @p1 $0x0;
	s22 =	simm.s32 @p2 $0x0  }
0x1b: {  	s20 =	sshrl.u32 s20, $0x3;
	[tilespmem:s19+$0x2850 ss:$0x81] =	vst.msk $0xffff, v61;
	s17 =	ssub.s32 s21, s28;
	s18 =	smul.u32 s22, s18  }
0x1c: {  	[tilespmem:s19+$0x3060 ss:$0x81] =	vst.msk $0xffff, v62;
	s20 =	sadd.s32 s3, s20;
	s21 =	sshll.u32 s30, $0x12;
	s17 =	sshll.u32 s17, $0xB  }
0x1d: {  	[tilespmem:s19+$0x0 ss:$0x81] =	vst.msk $0xffff, v63;
	s31 =	sor.u32 $0x400, s21;
	s17 =	sadd.s32 s17, s20;
	s18 =	sand.u32 $0x3FFFFFFF, s18  }
0x1e: {  	[hbm4b:s17+s31] =	stream.strided.scatter [tilespmem:s16], [sflag:$0x2], s18, s8, s31, $0x20;
	[tilespmem:$0x10100] =	vst v63  }
.LBB1_5:
0x1f: {  	p1 =	slt.u32 s13, $0x2  }
0x20: {  	s17 =	smov.u32 s15;
	p2 =	sgt.s32 @!p1 s15, $0x258;
	s16 =	sshra.s32 @!p1 s15, $0x1F  }
0x21: {  	p3 =	sgt.s32 @!p1 s14, $0x3F80;
	s18 =	sshra.s32 @!p1 s14, $0x1F;
	p2 =	por !p2, p1  }
0x22: {  	s15 =	sand.u32 @!p1 s16, s15;
	p3 =	por !p3, p1;
	s16 =	smov.u32 s14  }
0x23: {  	s14 =	sand.u32 @!p1 s18, s14;
	s17 =	simm.s32 @p2 $0x258;
	s16 =	simm.s32 @p3 $0x3F80  }
0x24: {  	s15 =	ssub.s32 @!p1 s17, s15;
	s14 =	ssub.s32 @!p1 s16, s14  }
0x25: {  	s18 =	smov.u32 s12;
	s16 =	sadd.s32 @!p1 $0xFFFFFDA8, s15;
	s17 =	sadd.s32 @!p1 $0xFFFFC080, s14  }
0x26: {  	s15 =	ssub.s32 @!p1 $0x2D8, s15;
	p2 =	sgt.s32 @!p1 s16, $0x7F;
	p3 =	sgt.s32 @!p1 s17, $0x7F  }
0x27: {  	s14 =	ssub.s32 @!p1 $0x4000, s14;
	p2 =	por !p2, p1;
	p3 =	por !p3, p1  }
0x28: {  	s16 =	sadd.s32 $0x80, s11;
	s15 =	simm.s32 @!p2 $0x0;
	s14 =	simm.s32 @!p3 $0x0  }
0x29: {  	p2 =	sgt.s32 s16, $0x2D7;
	s14 =	smul.u32 @!p1 s14, s15;
	s15 =	sadd.s32 $0x1000, s12  }
0x2a: {  	s18 =	smov.u32 @p2 s15  }
0x2b: {  	s16 =	simm.s32 @p2 $0x0;
	p2 =	sgt.s32 s18, $0x3FFF  }
0x2c: {  	s18 =	smov.u32 @p2 s2;
	p2 =	sne.s32 s13, s7  }
.Ltmp1:
0x2d: {  	p0 =	por !p0, !p0;
	s17 =	simm.s32 @!p1 $0x2;
	(pc) =	sbr.rel @!p2 .LBB1_6-.Ltmp1, $4  }
0x2e: {  	s15 =	smov.u32 s9;
	s9 =	smov.u32 s11;
	s14 =	sand.u32 @!p1 $0x3FFFFFFF, s14  }
0x2f: {  	s11 =	smov.u32 s16;
	_ =	swait.ge @!p1 [sflag:s17], s14;
	s19 =	ssub.s32 @!p1 $0x0, s14  }
0x30: {  	s14 =	smov.u32 s10;
	s13 =	sadd.s32 $0x1, s13;
	[sflag:s17] =	ssyncset.done @!p1 $0x0  }
0x31: {  	s10 =	smov.u32 s12;
	s12 =	smov.u32 s18;
	[sflag:s17] =	ssyncadd.s32 @!p1 s19  }
.LBB1_1:
0x32: {  	p1 =	sge.u32 s13, s5  }
0x33: {  	s16 =	sshrl.u32 @!p1 s12, $0x3  }
0x34: {  	s17 =	sshll.u32 @!p1 s11, $0x3;
	s16 =	smul.u32 @!p1 $0x1800, s16  }
0x35: {  	s18 =	sshll.u32 @!p1 s12, $0x7;
	s17 =	sand.u32 @!p1 $0xFFFFFC00, s17  }
0x36: {  	s16 =	sadd.s32 @!p1 s16, s17;
	s17 =	sand.u32 @!p1 $0x380, s18  }
0x37: {  	s18 =	sand.u32 @!p1 $0x7F, s11;
	s16 =	sor.u32 @!p1 s17, s16  }
0x38: {  	s17 =	sor.u32 @!p1 s18, s16  }
0x39: {  	s18 =	smulhi.u32 @!p1 $0xAAAAAAAB, s17;
	_ =	sdelay $0x1  }
0x3a: {  	s16 =	smulhi.u32 @!p1 $0xAAAAAAAB, s16;
	s18 =	sshrl.u32 @!p1 s18, $0x9  }
0x3b: {  	s18 =	smul.u32 @!p1 $0x300, s18  }
0x3c: {  	s31 =	sadd.s32 $0xFFFFFFFF, s13;
	s19 =	sxor.u32 @!p1 $0xFFFFFFFF, s13;
	s16 =	sshrl.u32 @!p1 s16, $0x9  }
0x3d: {  	s19 =	sshll.u32 @!p1 s19, $0xE;
	s16 =	sand.u32 @!p1 $0x3FFF, s16;
	s17 =	ssub.s32 @!p1 s17, s18  }
0x3e: {  	s16 =	smul.u32 @!p1 $0x60, s16;
	s18 =	sshrl.u32 @!p1 s17, $0x3;
	s17 =	sand.u32 @!p1 $0x7, s17  }
0x3f: {  	s19 =	sand.u32 @!p1 $0x4000, s19;
	s18 =	sadd.s32 @!p1 s6, s18;
	s17 =	sshll.u32 @!p1 s17, $0x12  }
0x40: {  	s16 =	sadd.s32 @!p1 s16, s18;
	s17 =	sor.u32 @!p1 $0x400, s17;
	s18 =	simm.s32 @!p1 $0x1800  }
0x41: {  	[tilespmem:s19], [sflag:$0x1] =	stream.strided.gather @!p1 [hbm4b:s16+s17], $0x4000, s18, s17, $0x38;
	[tilespmem:$0x10100] =	vst v63  }
0x42: {  	p1 =	sge.u32 s31, s5  }
.Ltmp2:
0x43: {  	_ = 	snop;
	(pc) =	sbr.rel @p1 .LBB1_5-.Ltmp2, $1  }
0x44: {  	_ =	sdelay $0x3  }
0x45: {  	s16 =	simm.s32 $0x1  }
0x46: {  	_ =	swait.ge [sflag:s4], $0x4000;
	s16 =	simm.s32 @!p0 $0x0  }
0x47: {  	[sflag:s4] =	ssyncset.done $0x0;
	s17 =	sshll.u32 s16, $0xE  }
0x48: {  	[sflag:s4] =	ssyncadd.s32 $0xFFFFC000;
	s17 =	sor.u32 $0x40, s17  }
0x49: {  	s16 =	smul.u32 $0x10200, s16;
	v0 =	vld [tilespmem:s17+$0x30]  }
0x4a: {  	v1 =	vld [tilespmem:s17+$0xFFFFFFD0]  }
0x4b: {  	s16 =	sshrl.u32 s16, $0x2;
	v5 =	vld [tilespmem:s17+$0xFFFFFFE0]  }
0x4c: {  	v6 =	vld [tilespmem:s17+$0xFFFFFFF0];
	s19 =	sor.u32 $0x8000, s16  }
0x4d: {  	s31 =	sand.u32 $0x1, s13;
	v4 =	vld [tilespmem:s17+$0x0];
	s18 =	sadd.s32 $0x0, s19  }
0x4e: {  	v3 =	vld [tilespmem:s17+$0x10];
	s16 =	smul.u32 $0x10200, s31;
	[tilespmem:s18+$0x3870 ss:$0x81] =	vst.msk $0xffff, v0  }
0x4f: {  	v2 =	vld [tilespmem:s17+$0x20];
	[tilespmem:s18+$0x810 ss:$0x81] =	vst.msk $0xffff, v1  }
0x50: {  	s16 =	sshrl.u32 s16, $0x2;
	v1 =	vld [tilespmem:s17+$0xFFFFFFC0];
	[tilespmem:s18+$0x1020 ss:$0x81] =	vst.msk $0xffff, v5;
	s17 =	sadd.s32 $0x80, s17  }
0x51: {  	s20 =	simm.s32 $0x4;
	s21 =	simm.s32 $0x8;
	s16 =	sor.u32 $0x8000, s16;
	[tilespmem:s18+$0x1830 ss:$0x81] =	vst.msk $0xffff, v6;
	v0 =	vld [tilespmem:s17+$0x30]  }
.LBB1_3:
0x52: {  	p1 =	sne.s32 s21, $0x1FC;
	v5 =	vld [tilespmem:s17+$0xFFFFFFD0];
	[tilespmem:s18+$0x2040 ss:$0x81] =	vst.msk $0xffff, v4  }
0x53: {  	v6 =	vld [tilespmem:s17+$0xFFFFFFE0];
	[tilespmem:s18+$0x2850 ss:$0x81] =	vst.msk $0xffff, v3  }
0x54: {  	s22 =	sshra.s32 s20, $0x2;
	s20 =	smov.u32 s21;
	v7 =	vld [tilespmem:s17+$0xFFFFFFF0];
	[tilespmem:s18+$0x3060 ss:$0x81] =	vst.msk $0xffff, v2  }
.Ltmp3:
0x55: {  	v4 =	vld [tilespmem:s17+$0x0];
	[tilespmem:s18+$0x0 ss:$0x81] =	vst.msk $0xffff, v1;
	s18 =	sadd.s32 s22, s19;
	(pc) =	sbr.rel @p1 .LBB1_3-.Ltmp3, $4  }
0x56: {  	v3 =	vld [tilespmem:s17+$0x10];
	[tilespmem:s18+$0x3870 ss:$0x81] =	vst.msk $0xffff, v0  }
0x57: {  	[tilespmem:s18+$0x810 ss:$0x81] =	vst.msk $0xffff, v5;
	v2 =	vld [tilespmem:s17+$0x20]  }
0x58: {  	v1 =	vld [tilespmem:s17+$0xFFFFFFC0];
	[tilespmem:s18+$0x1020 ss:$0x81] =	vst.msk $0xffff, v6;
	s17 =	sadd.s32 $0x80, s17  }
0x59: {  	s21 =	sadd.s32 $0x4, s21;
	v0 =	vld [tilespmem:s17+$0x30];
	[tilespmem:s18+$0x1830 ss:$0x81] =	vst.msk $0xffff, v7  }
.Ltmp4:
0x5a: {  	_ = 	snop;
	(pc) =	sbr.rel .LBB1_4-.Ltmp4, $1  }
0x5b: {  	_ =	sdelay $0x3  }
.LBB1_6:
0x5c: {  	_ =	sfence.sel $0x180000  }
0x5d: {  	s2 =	simm.s32 $0x1;
	[bflag:$0x0] =	sbarrier.arrive $0xFFFF  }
0x5e: {  	s31 =	simm.s32 $0x2;
	[sflag:s2] =	ssyncpa.u1 $0x1  }
0x5f: {  	[sflag:s31] =	ssyncpa.u1 $0x1  }
0x60: {  	p0 =	sne.s32 s0, $0x0;
	_ =	strace $0x9000004A  }
0x61: {  	s0 =	sadd.s32 @!p0 $0x100000, s1;
	[bflag:$0x2] =	sbarrier.arrive $0xFFFF  }
0x62: {  	[sflag:s0] =	ssyncadd.tile.s32 @!p0 $0x1;
	_ =	shalt  }
.Lfunc_end1:
_tile_overlayer_lowered:
.L_overlay_start_2:
0x63: {  	(tag) =	ssettag $0x2  }
0x64: {  	s0 =	rddreg [dreg:$0x0];
	s2 =	stileid.u32  }
0x65: {  	s1 =	rddreg [dreg:$0x1];
	p0 =	sne.s32 s2, $0x0  }
0x66: {  	s3 =	rddreg [dreg:$0x2];
	[bflag:$0x3] =	sbarrier.arrive $0xFFFF;
	s2 =	simm.s32 @!p0 $0x1C01  }
0x67: {  	[timem:s3], [sflag:s2] =	dma.local @!p0 [hbm:s0], s1  }
0x68: {  	s0 =	simm.s32 @!p0 $0x1  }
0x69: {  	_ =	swait.ge @!p0 [sflag:s0], s1  }
0x6a: {  	s1 =	ssub.s32 @!p0 $0x0, s1;
	[sflag:s0] =	ssyncset.done @!p0 $0x0  }
0x6b: {  	[sflag:s0] =	ssyncadd.s32 @!p0 s1  }
0x6c: {  	[bflag:$0x3] =	sbarrier.arrive $0xFFFF  }
0x6d: {  	_ =	shalt  }

</sc_bundles>
